<compile_context>
chip_gen: v7x
topology: tpu7x:2x2x1
jax: 0.10.2.dev20260603
libtpu: 0.0.44.dev20260713+nightly
codegen_flags: <defaults>
</compile_context>

<pallas_src>
import functools

import jax
import jax.numpy as jnp
from jax import lax
from jax.experimental import pallas as pl
from jax.experimental.pallas import tpu as pltpu
from jax.experimental.pallas import tpu_sc as plsc

NC = 2
NS = 16
NW = NC * NS
B = 128

_mesh = plsc.VectorSubcoreMesh(
    core_axis_name="c", subcore_axis_name="s", num_cores=NC, num_subcores=NS)


def _deg_kernel(npad, nb):
  rows_per_tile = npad // NS

  @functools.partial(
      pl.kernel,
      out_type=jax.ShapeDtypeStruct((NC, npad), jnp.float32),
      mesh=_mesh,
      scratch_types=[
          pltpu.VMEM((nb, B), jnp.int32),
          pltpu.VMEM((B,), jnp.float32),
          pltpu.VMEM((rows_per_tile,), jnp.float32),
          pltpu.VMEM_SHARED((npad,), jnp.float32),
      ],
  )
  def k(ei_hbm, out_hbm, dst_loc, ones_v, stage_v, deg_sp):
    cid = lax.axis_index("c")
    sid = lax.axis_index("s")
    wid = cid * NS + sid

    @pl.loop(0, rows_per_tile // 16)
    def _(i):
      stage_v[pl.ds(i * 16, 16)] = jnp.zeros((16,), jnp.float32)

    for j in range(B // 16):
      ones_v[pl.ds(j * 16, 16)] = jnp.ones((16,), jnp.float32)

    pltpu.sync_copy(stage_v, deg_sp.at[pl.ds(sid * rows_per_tile, rows_per_tile)])
    pltpu.sync_copy(ei_hbm.at[1, wid], dst_loc)
    plsc.subcore_barrier()

    @pl.loop(0, nb)
    def _(b):
      pltpu.sync_copy(ones_v, deg_sp.at[dst_loc.at[b]], add=True)

    plsc.subcore_barrier()
    base = sid * rows_per_tile
    pltpu.sync_copy(deg_sp.at[pl.ds(base, rows_per_tile)], stage_v)
    pltpu.sync_copy(stage_v, out_hbm.at[cid, pl.ds(base, rows_per_tile)])

  return k


def _gs_kernel(npad, nb, d):
  rows_per_tile = npad // NS
  chunks = rows_per_tile // B
  nhalf = nb // 2

  @functools.partial(
      pl.kernel,
      out_type=jax.ShapeDtypeStruct((NC, npad, d), jnp.float32),
      mesh=_mesh,
      scratch_types=[
          pltpu.VMEM((nhalf, B), jnp.int32),
          pltpu.VMEM((nhalf, B), jnp.int32),
          pltpu.VMEM((B, d), jnp.float32),
          pltpu.VMEM((B, d), jnp.float32),
          pltpu.VMEM_SHARED((npad, d), jnp.float32),
          pltpu.SemaphoreType.DMA,
          pltpu.SemaphoreType.DMA,
          pltpu.SemaphoreType.DMA,
          pltpu.SemaphoreType.DMA,
      ],
  )
  def k(g_hbm, ei_hbm, out_hbm,
        src_loc, dst_loc, buf0, buf1, acc_sp, sg0, sg1, ss0, ss1):
    cid = lax.axis_index("c")
    sid = lax.axis_index("s")
    wid = cid * NS + sid
    base = sid * rows_per_tile

    @pl.loop(0, B)
    def _(r):
      for j in range(d // 16):
        buf0[r, pl.ds(j * 16, 16)] = jnp.zeros((16,), jnp.float32)

    @pl.loop(0, chunks)
    def _(kk):
      pltpu.sync_copy(buf0, acc_sp.at[pl.ds(base + kk * B, B)])

    plsc.subcore_barrier()

    for ph in range(2):
      pltpu.sync_copy(ei_hbm.at[0, wid, pl.ds(ph * nhalf, nhalf)], src_loc)
      pltpu.sync_copy(ei_hbm.at[1, wid, pl.ds(ph * nhalf, nhalf)], dst_loc)

      pltpu.async_copy(g_hbm.at[src_loc.at[0]], buf0, sg0)

      @pl.loop(0, nhalf // 2)
      def _(i):
        b = i * 2
        pltpu.make_async_copy(g_hbm.at[src_loc.at[b]], buf0, sg0).wait()
        pltpu.async_copy(g_hbm.at[src_loc.at[b + 1]], buf1, sg1)
        pltpu.sync_copy(buf0, acc_sp.at[dst_loc.at[b]], add=True)
        pltpu.make_async_copy(g_hbm.at[src_loc.at[b + 1]], buf1, sg1).wait()
        b2 = jnp.minimum(b + 2, nhalf - 1)
        pltpu.async_copy(g_hbm.at[src_loc.at[b2]], buf0, sg0)
        pltpu.sync_copy(buf1, acc_sp.at[dst_loc.at[b + 1]], add=True)

      pltpu.make_async_copy(g_hbm.at[src_loc.at[0]], buf0, sg0).wait()

    plsc.subcore_barrier()
    pltpu.sync_copy(acc_sp.at[pl.ds(base, rows_per_tile)],
                    out_hbm.at[cid, pl.ds(base, rows_per_tile)])

  return k


def _scale_body(n, npad, x_ref, w_ref, degp_ref, g_ref):
  deg = (degp_ref[0] + degp_ref[1])[:n, None] + 1.0
  dinv = lax.rsqrt(deg)
  h = jnp.dot(x_ref[...], w_ref[...], preferred_element_type=jnp.float32)
  g_ref[:n] = h * dinv
  g_ref[n:] = jnp.zeros((npad - n, h.shape[1]), jnp.float32)


def _epilogue_body(n, sp_ref, g_ref, degp_ref, b_ref, gamma_ref, beta_ref, o_ref):
  deg = (degp_ref[0] + degp_ref[1])[:n, None] + 1.0
  dinv = lax.rsqrt(deg)
  s = sp_ref[0][:n] + sp_ref[1][:n]
  t = (s + g_ref[:n]) * (dinv / deg) + b_ref[...]
  t = jnp.where(t >= 0.0, t, 0.01 * t)
  mean = jnp.sum(t, axis=0, keepdims=True) * (1.0 / n)
  dev = t - mean
  var = jnp.sum(dev * dev, axis=0, keepdims=True) * (1.0 / n)
  o_ref[...] = dev * lax.rsqrt(var + 1e-5) * gamma_ref[...] + beta_ref[...]


def kernel(x, edge_index, W, b, gamma, beta):
  n, d_in = x.shape
  d = W.shape[1]
  e = edge_index.shape[1]

  npad = ((n + NS * B - 1) // (NS * B)) * (NS * B)
  ept = -(-e // NW)
  nb = -(-ept // B)
  nb = ((nb + 3) // 4) * 4
  tot = NW * nb * B

  pad = tot - e
  ei = edge_index.astype(jnp.int32)
  tail = n + (jnp.arange(pad, dtype=jnp.int32) % (npad - n))
  ei4 = jnp.concatenate(
      [ei, jnp.broadcast_to(tail, (2, pad))], axis=1).reshape(2, NW, nb, B)

  degp = _deg_kernel(npad, nb)(ei4)

  g = pl.pallas_call(
      functools.partial(_scale_body, n, npad),
      out_shape=jax.ShapeDtypeStruct((npad, d), jnp.float32),
  )(x, W, degp)

  sp = _gs_kernel(npad, nb, d)(g, ei4)

  out = pl.pallas_call(
      functools.partial(_epilogue_body, n),
      out_shape=jax.ShapeDtypeStruct((n, d), jnp.float32),
  )(sp, g, degp, b.reshape(1, d), gamma.reshape(1, d), beta.reshape(1, d))
  return out

# --- scband reference (transcript-rebuilt; emitter-appended) ---
"""Pipeline reference for scband-bdlayer-45715631899545 (READ-ONLY COPY).

The authoritative reference and input builder live on the scoring server;
editing this copy changes nothing except your own understanding.
"""

import jax, jax.numpy as jnp
import numpy as np

N_NODES = 10000
N_EDGES = 320000
D_IN = 128
D_OUT = 128

def setup_inputs(seed: int = 0) -> dict:
    key = jax.random.key(seed)
    k1, k2, k3, k4 = jax.random.split(key, 4)
    x = jax.random.normal(k1, (N_NODES, D_IN), dtype=jnp.float32)
    edge_index = jax.random.randint(k2, (2, N_EDGES), 0, N_NODES, dtype=jnp.int64)
    # GCNConv linear weight (glorot) and bias (zeros in PyG init)
    limit = float(np.sqrt(6.0 / (D_IN + D_OUT)))
    W = jax.random.uniform(k3, (D_IN, D_OUT), minval=-limit, maxval=limit, dtype=jnp.float32)
    b = jnp.zeros((D_OUT,), dtype=jnp.float32)
    # BatchNorm1d affine params
    gamma = jnp.ones((D_OUT,), dtype=jnp.float32)
    beta = jnp.zeros((D_OUT,), dtype=jnp.float32)
    return {"x": x, "edge_index": edge_index, "W": W, "b": b, "gamma": gamma, "beta": beta}

def reference(x, edge_index, W, b, gamma, beta):
    N = x.shape[0]
    src = edge_index[0]
    dst = edge_index[1]
    # add self loops (GCNConv default add_self_loops=True)
    loop = jnp.arange(N, dtype=src.dtype)
    src = jnp.concatenate([src, loop])
    dst = jnp.concatenate([dst, loop])
    ones = jnp.ones(src.shape[0], dtype=jnp.float32)
    # symmetric GCN normalization: deg computed on dst
    deg = jax.ops.segment_sum(ones, dst, num_segments=N)
    deg_inv_sqrt = jnp.where(deg > 0, jax.lax.rsqrt(jnp.maximum(deg, 1e-12)), 0.0)
    norm = deg_inv_sqrt[src] * deg_inv_sqrt[dst]
    # linear transform
    h = x @ W
    # message = norm * h[src]
    msg = norm[:, None] * jnp.take(h, src, axis=0)
    # aggr='mean' over destination nodes
    summed = jax.ops.segment_sum(msg, dst, num_segments=N)
    cnt = jax.ops.segment_sum(ones, dst, num_segments=N)
    out = summed / jnp.maximum(cnt, 1.0)[:, None]
    out = out + b
    # LeakyReLU (default negative_slope=0.01)
    out = jnp.where(out >= 0, out, 0.01 * out)
    # BatchNorm1d, training mode (batch statistics, biased variance)
    mean = jnp.mean(out, axis=0)
    var = jnp.mean((out - mean) ** 2, axis=0)
    out = (out - mean) * jax.lax.rsqrt(var + 1e-5) * gamma + beta
    return out

if __name__ == "__main__":
    import jax
    _d = setup_inputs()
    print(jax.jit(kernel)(*tuple(_d.values())))

</pallas_src>

<mosaic_0001>
#map = affine_map<(d0, d1) -> (0, 0)>
#map1 = affine_map<(d0, d1) -> (0, 0, 0, 0)>
#map2 = affine_map<(d0, d1) -> (0, 0, 0)>
module attributes {stable_mosaic.version = 14 : i64} {
  func.func @k(%arg0: i32, %arg1: i32, %arg2: memref<10240x128xf32, #tpu.memory_space<hbm>>, %arg3: memref<2x32x80x128xi32, #tpu.memory_space<hbm>>, %arg4: memref<2x10240x128xf32, #tpu.memory_space<hbm>>, %arg5: memref<40x128xi32, #tpu.memory_space<vmem>>, %arg6: memref<40x128xi32, #tpu.memory_space<vmem>>, %arg7: memref<128x128xf32, #tpu.memory_space<vmem>>, %arg8: memref<128x128xf32, #tpu.memory_space<vmem>>, %arg9: memref<10240x128xf32, #tpu.memory_space<vmem_shared>>, %arg10: memref<!tpu.dma_semaphore, #tpu.memory_space<semaphore_mem>>, %arg11: memref<!tpu.dma_semaphore, #tpu.memory_space<semaphore_mem>>, %arg12: memref<!tpu.dma_semaphore, #tpu.memory_space<semaphore_mem>>, %arg13: memref<!tpu.dma_semaphore, #tpu.memory_space<semaphore_mem>>) attributes {dimension_semantics = [#tpu.dimension_semantics<core_parallel>, #tpu.dimension_semantics<subcore_parallel>], iteration_bounds = array<i64: 2, 16>, scalar_prefetch = 0 : i64, scratch_operands = 9 : i64, tpu.core_type = #tpu.core_type<sc_vector_subcore>, window_params = [{transform_indices = #map}, {transform_indices = #map1}, {transform_indices = #map2}]} {
    %mul3A = arith.constant 16 : i32
    %mul3A_0 = arith.muli %arg0, %mul3A : i32
    %add3A = arith.addi %mul3A_0, %arg1 : i32
    %mul3A_1 = arith.constant 640 : i32
    %mul3A_2 = arith.muli %arg1, %mul3A_1 : i32
    %scan3A = arith.constant 0 : i32
    %scan3A_3 = arith.constant 128 : i32
    %scan3A_4 = arith.addi %scan3A, %scan3A_3 : i32
    %scan3A_5 = arith.constant 1 : i32
    scf.for %scan3A_52 = %scan3A to %scan3A_4 step %scan3A_5  : i32 {
      %mul3A_53 = arith.constant 1 : i32
      %mul3A_54 = arith.muli %scan3A_52, %mul3A_53 : i32
      %add3A_55 = arith.constant 0 : i32
      %add3A_56 = arith.addi %add3A_55, %mul3A_54 : i32
      %broadcast_in_dim3A = arith.constant 0.000000e+00 : f32
      %broadcast_in_dim3A_57 = vector.broadcast %broadcast_in_dim3A : f32 to vector<16xf32>
      %swap3A = arith.index_cast %add3A_56 : i32 to index
      %swap3A_58 = arith.constant 0 : index
      %swap3A_59 = tpu.vector_load %arg7[%swap3A, %swap3A_58] {strides = array<i32>} : memref<128x128xf32, #tpu.memory_space<vmem>>, vector<1x16xf32>,
      %swap3A_60 = vector.shape_cast %swap3A_59 : vector<1x16xf32> to vector<16xf32>
      %swap3A_61 = vector.shape_cast %broadcast_in_dim3A_57 : vector<16xf32> to vector<1x16xf32>
      tpu.vector_store %arg7[%swap3A, %swap3A_58], %swap3A_61 {strides = array<i32>} : memref<128x128xf32, #tpu.memory_space<vmem>>, vector<1x16xf32>,
      %broadcast_in_dim3A_62 = arith.constant 0.000000e+00 : f32
      %broadcast_in_dim3A_63 = vector.broadcast %broadcast_in_dim3A_62 : f32 to vector<16xf32>
      %swap3A_64 = arith.index_cast %add3A_56 : i32 to index
      %swap3A_65 = arith.constant 16 : index
      %swap3A_66 = tpu.vector_load %arg7[%swap3A_64, %swap3A_65] {strides = array<i32>} : memref<128x128xf32, #tpu.memory_space<vmem>>, vector<1x16xf32>,
      %swap3A_67 = vector.shape_cast %swap3A_66 : vector<1x16xf32> to vector<16xf32>
      %swap3A_68 = vector.shape_cast %broadcast_in_dim3A_63 : vector<16xf32> to vector<1x16xf32>
      tpu.vector_store %arg7[%swap3A_64, %swap3A_65], %swap3A_68 {strides = array<i32>} : memref<128x128xf32, #tpu.memory_space<vmem>>, vector<1x16xf32>,
      %broadcast_in_dim3A_69 = arith.constant 0.000000e+00 : f32
      %broadcast_in_dim3A_70 = vector.broadcast %broadcast_in_dim3A_69 : f32 to vector<16xf32>
      %swap3A_71 = arith.index_cast %add3A_56 : i32 to index
      %swap3A_72 = arith.constant 32 : index
      %swap3A_73 = tpu.vector_load %arg7[%swap3A_71, %swap3A_72] {strides = array<i32>} : memref<128x128xf32, #tpu.memory_space<vmem>>, vector<1x16xf32>,
      %swap3A_74 = vector.shape_cast %swap3A_73 : vector<1x16xf32> to vector<16xf32>
      %swap3A_75 = vector.shape_cast %broadcast_in_dim3A_70 : vector<16xf32> to vector<1x16xf32>
      tpu.vector_store %arg7[%swap3A_71, %swap3A_72], %swap3A_75 {strides = array<i32>} : memref<128x128xf32, #tpu.memory_space<vmem>>, vector<1x16xf32>,
      %broadcast_in_dim3A_76 = arith.constant 0.000000e+00 : f32
      %broadcast_in_dim3A_77 = vector.broadcast %broadcast_in_dim3A_76 : f32 to vector<16xf32>
      %swap3A_78 = arith.index_cast %add3A_56 : i32 to index
      %swap3A_79 = arith.constant 48 : index
      %swap3A_80 = tpu.vector_load %arg7[%swap3A_78, %swap3A_79] {strides = array<i32>} : memref<128x128xf32, #tpu.memory_space<vmem>>, vector<1x16xf32>,
      %swap3A_81 = vector.shape_cast %swap3A_80 : vector<1x16xf32> to vector<16xf32>
      %swap3A_82 = vector.shape_cast %broadcast_in_dim3A_77 : vector<16xf32> to vector<1x16xf32>
      tpu.vector_store %arg7[%swap3A_78, %swap3A_79], %swap3A_82 {strides = array<i32>} : memref<128x128xf32, #tpu.memory_space<vmem>>, vector<1x16xf32>,
      %broadcast_in_dim3A_83 = arith.constant 0.000000e+00 : f32
      %broadcast_in_dim3A_84 = vector.broadcast %broadcast_in_dim3A_83 : f32 to vector<16xf32>
      %swap3A_85 = arith.index_cast %add3A_56 : i32 to index
      %swap3A_86 = arith.constant 64 : index
      %swap3A_87 = tpu.vector_load %arg7[%swap3A_85, %swap3A_86] {strides = array<i32>} : memref<128x128xf32, #tpu.memory_space<vmem>>, vector<1x16xf32>,
      %swap3A_88 = vector.shape_cast %swap3A_87 : vector<1x16xf32> to vector<16xf32>
      %swap3A_89 = vector.shape_cast %broadcast_in_dim3A_84 : vector<16xf32> to vector<1x16xf32>
      tpu.vector_store %arg7[%swap3A_85, %swap3A_86], %swap3A_89 {strides = array<i32>} : memref<128x128xf32, #tpu.memory_space<vmem>>, vector<1x16xf32>,
      %broadcast_in_dim3A_90 = arith.constant 0.000000e+00 : f32
      %broadcast_in_dim3A_91 = vector.broadcast %broadcast_in_dim3A_90 : f32 to vector<16xf32>
      %swap3A_92 = arith.index_cast %add3A_56 : i32 to index
      %swap3A_93 = arith.constant 80 : index
      %swap3A_94 = tpu.vector_load %arg7[%swap3A_92, %swap3A_93] {strides = array<i32>} : memref<128x128xf32, #tpu.memory_space<vmem>>, vector<1x16xf32>,
      %swap3A_95 = vector.shape_cast %swap3A_94 : vector<1x16xf32> to vector<16xf32>
      %swap3A_96 = vector.shape_cast %broadcast_in_dim3A_91 : vector<16xf32> to vector<1x16xf32>
      tpu.vector_store %arg7[%swap3A_92, %swap3A_93], %swap3A_96 {strides = array<i32>} : memref<128x128xf32, #tpu.memory_space<vmem>>, vector<1x16xf32>,
      %broadcast_in_dim3A_97 = arith.constant 0.000000e+00 : f32
      %broadcast_in_dim3A_98 = vector.broadcast %broadcast_in_dim3A_97 : f32 to vector<16xf32>
      %swap3A_99 = arith.index_cast %add3A_56 : i32 to index
      %swap3A_100 = arith.constant 96 : index
      %swap3A_101 = tpu.vector_load %arg7[%swap3A_99, %swap3A_100] {strides = array<i32>} : memref<128x128xf32, #tpu.memory_space<vmem>>, vector<1x16xf32>,
      %swap3A_102 = vector.shape_cast %swap3A_101 : vector<1x16xf32> to vector<16xf32>
      %swap3A_103 = vector.shape_cast %broadcast_in_dim3A_98 : vector<16xf32> to vector<1x16xf32>
      tpu.vector_store %arg7[%swap3A_99, %swap3A_100], %swap3A_103 {strides = array<i32>} : memref<128x128xf32, #tpu.memory_space<vmem>>, vector<1x16xf32>,
      %broadcast_in_dim3A_104 = arith.constant 0.000000e+00 : f32
      %broadcast_in_dim3A_105 = vector.broadcast %broadcast_in_dim3A_104 : f32 to vector<16xf32>
      %swap3A_106 = arith.index_cast %add3A_56 : i32 to index
      %swap3A_107 = arith.constant 112 : index
      %swap3A_108 = tpu.vector_load %arg7[%swap3A_106, %swap3A_107] {strides = array<i32>} : memref<128x128xf32, #tpu.memory_space<vmem>>, vector<1x16xf32>,
      %swap3A_109 = vector.shape_cast %swap3A_108 : vector<1x16xf32> to vector<16xf32>
      %swap3A_110 = vector.shape_cast %broadcast_in_dim3A_105 : vector<16xf32> to vector<1x16xf32>
      tpu.vector_store %arg7[%swap3A_106, %swap3A_107], %swap3A_110 {strides = array<i32>} : memref<128x128xf32, #tpu.memory_space<vmem>>, vector<1x16xf32>,
    }
    %scan3A_6 = arith.constant 128 : i32
    %scan3A_7 = arith.constant 0 : i32
    %scan3A_8 = arith.constant 5 : i32
    %scan3A_9 = arith.addi %scan3A_7, %scan3A_8 : i32
    %scan3A_10 = arith.constant 1 : i32
    scf.for %scan3A_52 = %scan3A_7 to %scan3A_9 step %scan3A_10  : i32 {
      %mul3A_53 = arith.constant 1 : i32
      %mul3A_54 = arith.muli %scan3A_52, %mul3A_53 : i32
      %add3A_55 = arith.constant 0 : i32
      %add3A_56 = arith.addi %add3A_55, %mul3A_54 : i32
      %mul3A_57 = arith.constant 128 : i32
      %mul3A_58 = arith.muli %add3A_56, %mul3A_57 : i32
      %add3A_59 = arith.addi %mul3A_2, %mul3A_58 : i32
      "tpu.region"() ({
        %run_scoped3A_60 = tpu.sem_alloc : memref<!tpu.dma_semaphore, #tpu.memory_space<semaphore_mem>>
        %dma_start3A_61 = arith.constant 0 : i32
        %dma_start3A_62 = tpu.memref_slice %arg9[%add3A_59, %dma_start3A_61] : memref<10240x128xf32, #tpu.memory_space<vmem_shared>> -> memref<128x128xf32, #tpu.memory_space<vmem_shared>>
        %dma_start3A_63 = arith.constant 0 : i32
        %dma_start3A_64 = tpu.memref_slice %arg9[%add3A_59, %dma_start3A_63] : memref<10240x128xf32, #tpu.memory_space<vmem_shared>> -> memref<128x128xf32, #tpu.memory_space<vmem_shared>>
        tpu.enqueue_dma source(%arg7 : memref<128x128xf32, #tpu.memory_space<vmem>>) target(%dma_start3A_64 : memref<128x128xf32, #tpu.memory_space<vmem_shared>>) target_semaphore(%run_scoped3A_60 : memref<!tpu.dma_semaphore, #tpu.memory_space<semaphore_mem>>)
        %dma_wait3A_65 = arith.constant 0 : i32
        %dma_wait3A_66 = tpu.memref_slice %arg9[%add3A_59, %dma_wait3A_65] : memref<10240x128xf32, #tpu.memory_space<vmem_shared>> -> memref<128x128xf32, #tpu.memory_space<vmem_shared>>
        %dma_wait3A_67 = arith.constant 0 : i32
        %dma_wait3A_68 = tpu.memref_slice %arg9[%add3A_59, %dma_wait3A_67] : memref<10240x128xf32, #tpu.memory_space<vmem_shared>> -> memref<128x128xf32, #tpu.memory_space<vmem_shared>>
        tpu.wait_dma2 semaphore(%run_scoped3A_60 : memref<!tpu.dma_semaphore, #tpu.memory_space<semaphore_mem>>) src(%arg7 : memref<128x128xf32, #tpu.memory_space<vmem>>) dst(%dma_wait3A_68 : memref<128x128xf32, #tpu.memory_space<vmem_shared>>)
        tpu.yield
      }) : () -> ()
    }
    %scan3A_11 = arith.constant 5 : i32
    %barrier3A = arith.constant 0 : index
    tpu.barrier barrier_id(%barrier3A)
    %run_scoped3A = arith.constant 0 : i32
    "tpu.region"() ({
      %run_scoped3A_52 = tpu.sem_alloc : memref<!tpu.dma_semaphore, #tpu.memory_space<semaphore_mem>>
      %dma_start3A_53 = arith.constant 0 : i32
      %dma_start3A_54 = arith.constant 0 : i32
      %dma_start3A_55 = tpu.memref_slice %arg3[%run_scoped3A, %add3A, %dma_start3A_53, %dma_start3A_54] : memref<2x32x80x128xi32, #tpu.memory_space<hbm>> -> memref<1x1x40x128xi32, #tpu.memory_space<hbm>>
      %dma_start3A_56 = tpu.memref_squeeze %dma_start3A_55 : memref<1x1x40x128xi32, #tpu.memory_space<hbm>> -> memref<40x128xi32, #tpu.memory_space<hbm>>
      %dma_start3A_57 = arith.constant 0 : i32
      %dma_start3A_58 = arith.constant 0 : i32
      %dma_start3A_59 = tpu.memref_slice %arg3[%run_scoped3A, %add3A, %dma_start3A_57, %dma_start3A_58] : memref<2x32x80x128xi32, #tpu.memory_space<hbm>> -> memref<1x1x40x128xi32, #tpu.memory_space<hbm>>
      %dma_start3A_60 = tpu.memref_squeeze %dma_start3A_59 : memref<1x1x40x128xi32, #tpu.memory_space<hbm>> -> memref<40x128xi32, #tpu.memory_space<hbm>>
      tpu.enqueue_dma source(%dma_start3A_60 : memref<40x128xi32, #tpu.memory_space<hbm>>) target(%arg5 : memref<40x128xi32, #tpu.memory_space<vmem>>) target_semaphore(%run_scoped3A_52 : memref<!tpu.dma_semaphore, #tpu.memory_space<semaphore_mem>>)
      %dma_wait3A_61 = arith.constant 0 : i32
      %dma_wait3A_62 = arith.constant 0 : i32
      %dma_wait3A_63 = tpu.memref_slice %arg3[%run_scoped3A, %add3A, %dma_wait3A_61, %dma_wait3A_62] : memref<2x32x80x128xi32, #tpu.memory_space<hbm>> -> memref<1x1x40x128xi32, #tpu.memory_space<hbm>>
      %dma_wait3A_64 = tpu.memref_squeeze %dma_wait3A_63 : memref<1x1x40x128xi32, #tpu.memory_space<hbm>> -> memref<40x128xi32, #tpu.memory_space<hbm>>
      %dma_wait3A_65 = arith.constant 0 : i32
      %dma_wait3A_66 = arith.constant 0 : i32
      %dma_wait3A_67 = tpu.memref_slice %arg3[%run_scoped3A, %add3A, %dma_wait3A_65, %dma_wait3A_66] : memref<2x32x80x128xi32, #tpu.memory_space<hbm>> -> memref<1x1x40x128xi32, #tpu.memory_space<hbm>>
      %dma_wait3A_68 = tpu.memref_squeeze %dma_wait3A_67 : memref<1x1x40x128xi32, #tpu.memory_space<hbm>> -> memref<40x128xi32, #tpu.memory_space<hbm>>
      tpu.wait_dma2 semaphore(%run_scoped3A_52 : memref<!tpu.dma_semaphore, #tpu.memory_space<semaphore_mem>>) src(%dma_wait3A_68 : memref<40x128xi32, #tpu.memory_space<hbm>>) dst(%arg5 : memref<40x128xi32, #tpu.memory_space<vmem>>)
      tpu.yield
    }) : () -> ()
    %run_scoped3A_12 = arith.constant 1 : i32
    "tpu.region"() ({
      %run_scoped3A_52 = tpu.sem_alloc : memref<!tpu.dma_semaphore, #tpu.memory_space<semaphore_mem>>
      %dma_start3A_53 = arith.constant 0 : i32
      %dma_start3A_54 = arith.constant 0 : i32
      %dma_start3A_55 = tpu.memref_slice %arg3[%run_scoped3A_12, %add3A, %dma_start3A_53, %dma_start3A_54] : memref<2x32x80x128xi32, #tpu.memory_space<hbm>> -> memref<1x1x40x128xi32, #tpu.memory_space<hbm>>
      %dma_start3A_56 = tpu.memref_squeeze %dma_start3A_55 : memref<1x1x40x128xi32, #tpu.memory_space<hbm>> -> memref<40x128xi32, #tpu.memory_space<hbm>>
      %dma_start3A_57 = arith.constant 0 : i32
      %dma_start3A_58 = arith.constant 0 : i32
      %dma_start3A_59 = tpu.memref_slice %arg3[%run_scoped3A_12, %add3A, %dma_start3A_57, %dma_start3A_58] : memref<2x32x80x128xi32, #tpu.memory_space<hbm>> -> memref<1x1x40x128xi32, #tpu.memory_space<hbm>>
      %dma_start3A_60 = tpu.memref_squeeze %dma_start3A_59 : memref<1x1x40x128xi32, #tpu.memory_space<hbm>> -> memref<40x128xi32, #tpu.memory_space<hbm>>
      tpu.enqueue_dma source(%dma_start3A_60 : memref<40x128xi32, #tpu.memory_space<hbm>>) target(%arg6 : memref<40x128xi32, #tpu.memory_space<vmem>>) target_semaphore(%run_scoped3A_52 : memref<!tpu.dma_semaphore, #tpu.memory_space<semaphore_mem>>)
      %dma_wait3A_61 = arith.constant 0 : i32
      %dma_wait3A_62 = arith.constant 0 : i32
      %dma_wait3A_63 = tpu.memref_slice %arg3[%run_scoped3A_12, %add3A, %dma_wait3A_61, %dma_wait3A_62] : memref<2x32x80x128xi32, #tpu.memory_space<hbm>> -> memref<1x1x40x128xi32, #tpu.memory_space<hbm>>
      %dma_wait3A_64 = tpu.memref_squeeze %dma_wait3A_63 : memref<1x1x40x128xi32, #tpu.memory_space<hbm>> -> memref<40x128xi32, #tpu.memory_space<hbm>>
      %dma_wait3A_65 = arith.constant 0 : i32
      %dma_wait3A_66 = arith.constant 0 : i32
      %dma_wait3A_67 = tpu.memref_slice %arg3[%run_scoped3A_12, %add3A, %dma_wait3A_65, %dma_wait3A_66] : memref<2x32x80x128xi32, #tpu.memory_space<hbm>> -> memref<1x1x40x128xi32, #tpu.memory_space<hbm>>
      %dma_wait3A_68 = tpu.memref_squeeze %dma_wait3A_67 : memref<1x1x40x128xi32, #tpu.memory_space<hbm>> -> memref<40x128xi32, #tpu.memory_space<hbm>>
      tpu.wait_dma2 semaphore(%run_scoped3A_52 : memref<!tpu.dma_semaphore, #tpu.memory_space<semaphore_mem>>) src(%dma_wait3A_68 : memref<40x128xi32, #tpu.memory_space<hbm>>) dst(%arg6 : memref<40x128xi32, #tpu.memory_space<vmem>>)
      tpu.yield
    }) : () -> ()
    %dma_start3A = arith.constant 0 : i32
    %dma_start3A_13 = arith.constant 0 : i32
    %dma_start3A_14 = tpu.memref_slice %arg5[%dma_start3A, %dma_start3A_13] : memref<40x128xi32, #tpu.memory_space<vmem>> -> memref<1x128xi32, #tpu.memory_space<vmem>>
    %dma_start3A_15 = tpu.memref_squeeze %dma_start3A_14 : memref<1x128xi32, #tpu.memory_space<vmem>> -> memref<128xi32, #tpu.memory_space<vmem>>
    %dma_start3A_16 = arith.constant 0 : i32
    %dma_start3A_17 = arith.constant 0 : i32
    %dma_start3A_18 = tpu.memref_slice %arg2[%dma_start3A_16, %dma_start3A_17] : memref<10240x128xf32, #tpu.memory_space<hbm>> -> memref<10240x128xf32, #tpu.memory_space<hbm>>
    tpu.enqueue_indirect_dma source(%dma_start3A_18 : memref<10240x128xf32, #tpu.memory_space<hbm>>) target(%arg7 : memref<128x128xf32, #tpu.memory_space<vmem>>) offsets(%dma_start3A_15 : memref<128xi32, #tpu.memory_space<vmem>>) semaphore(%arg10 : memref<!tpu.dma_semaphore, #tpu.memory_space<semaphore_mem>>)
    %scan3A_19 = arith.constant 0 : i32
    %scan3A_20 = arith.constant 20 : i32
    %scan3A_21 = arith.addi %scan3A_19, %scan3A_20 : i32
    %scan3A_22 = arith.constant 1 : i32
    scf.for %scan3A_52 = %scan3A_19 to %scan3A_21 step %scan3A_22  : i32 {
      %mul3A_53 = arith.constant 1 : i32
      %mul3A_54 = arith.muli %scan3A_52, %mul3A_53 : i32
      %add3A_55 = arith.constant 0 : i32
      %add3A_56 = arith.addi %add3A_55, %mul3A_54 : i32
      %mul3A_57 = arith.constant 2 : i32
      %mul3A_58 = arith.muli %add3A_56, %mul3A_57 : i32
      %dma_wait3A_59 = arith.constant 0 : i32
      %dma_wait3A_60 = tpu.memref_slice %arg5[%mul3A_58, %dma_wait3A_59] : memref<40x128xi32, #tpu.memory_space<vmem>> -> memref<1x128xi32, #tpu.memory_space<vmem>>
      %dma_wait3A_61 = tpu.memref_squeeze %dma_wait3A_60 : memref<1x128xi32, #tpu.memory_space<vmem>> -> memref<128xi32, #tpu.memory_space<vmem>>
      %dma_wait3A_62 = arith.constant 0 : i32
      %dma_wait3A_63 = arith.constant 0 : i32
      %dma_wait3A_64 = tpu.memref_slice %arg2[%dma_wait3A_62, %dma_wait3A_63] : memref<10240x128xf32, #tpu.memory_space<hbm>> -> memref<10240x128xf32, #tpu.memory_space<hbm>>
      tpu.wait_indirect_dma semaphore(%arg10 : memref<!tpu.dma_semaphore, #tpu.memory_space<semaphore_mem>>) src(%dma_wait3A_64 : memref<10240x128xf32, #tpu.memory_space<hbm>>) dst(%arg7 : memref<128x128xf32, #tpu.memory_space<vmem>>)
      %add3A_65 = arith.constant 1 : i32
      %add3A_66 = arith.addi %mul3A_58, %add3A_65 : i32
      %dma_start3A_67 = arith.constant 0 : i32
      %dma_start3A_68 = tpu.memref_slice %arg5[%add3A_66, %dma_start3A_67] : memref<40x128xi32, #tpu.memory_space<vmem>> -> memref<1x128xi32, #tpu.memory_space<vmem>>
      %dma_start3A_69 = tpu.memref_squeeze %dma_start3A_68 : memref<1x128xi32, #tpu.memory_space<vmem>> -> memref<128xi32, #tpu.memory_space<vmem>>
      %dma_start3A_70 = arith.constant 0 : i32
      %dma_start3A_71 = arith.constant 0 : i32
      %dma_start3A_72 = tpu.memref_slice %arg2[%dma_start3A_70, %dma_start3A_71] : memref<10240x128xf32, #tpu.memory_space<hbm>> -> memref<10240x128xf32, #tpu.memory_space<hbm>>
      tpu.enqueue_indirect_dma source(%dma_start3A_72 : memref<10240x128xf32, #tpu.memory_space<hbm>>) target(%arg8 : memref<128x128xf32, #tpu.memory_space<vmem>>) offsets(%dma_start3A_69 : memref<128xi32, #tpu.memory_space<vmem>>) semaphore(%arg11 : memref<!tpu.dma_semaphore, #tpu.memory_space<semaphore_mem>>)
      "tpu.region"() ({
        %run_scoped3A_92 = tpu.sem_alloc : memref<!tpu.dma_semaphore, #tpu.memory_space<semaphore_mem>>
        %dma_start3A_93 = arith.constant 0 : i32
        %dma_start3A_94 = tpu.memref_slice %arg6[%mul3A_58, %dma_start3A_93] : memref<40x128xi32, #tpu.memory_space<vmem>> -> memref<1x128xi32, #tpu.memory_space<vmem>>
        %dma_start3A_95 = tpu.memref_squeeze %dma_start3A_94 : memref<1x128xi32, #tpu.memory_space<vmem>> -> memref<128xi32, #tpu.memory_space<vmem>>
        %dma_start3A_96 = arith.constant 0 : i32
        %dma_start3A_97 = arith.constant 0 : i32
        %dma_start3A_98 = tpu.memref_slice %arg9[%dma_start3A_96, %dma_start3A_97] : memref<10240x128xf32, #tpu.memory_space<vmem_shared>> -> memref<10240x128xf32, #tpu.memory_space<vmem_shared>>
        tpu.enqueue_indirect_dma source(%arg7 : memref<128x128xf32, #tpu.memory_space<vmem>>) target(%dma_start3A_98 : memref<10240x128xf32, #tpu.memory_space<vmem_shared>>) offsets(%dma_start3A_95 : memref<128xi32, #tpu.memory_space<vmem>>) semaphore(%run_scoped3A_92 : memref<!tpu.dma_semaphore, #tpu.memory_space<semaphore_mem>>) {add = true}
        %dma_wait3A_99 = arith.constant 0 : i32
        %dma_wait3A_100 = tpu.memref_slice %arg6[%mul3A_58, %dma_wait3A_99] : memref<40x128xi32, #tpu.memory_space<vmem>> -> memref<1x128xi32, #tpu.memory_space<vmem>>
        %dma_wait3A_101 = tpu.memref_squeeze %dma_wait3A_100 : memref<1x128xi32, #tpu.memory_space<vmem>> -> memref<128xi32, #tpu.memory_space<vmem>>
        %dma_wait3A_102 = arith.constant 0 : i32
        %dma_wait3A_103 = arith.constant 0 : i32
        %dma_wait3A_104 = tpu.memref_slice %arg9[%dma_wait3A_102, %dma_wait3A_103] : memref<10240x128xf32, #tpu.memory_space<vmem_shared>> -> memref<10240x128xf32, #tpu.memory_space<vmem_shared>>
        tpu.wait_indirect_dma semaphore(%run_scoped3A_92 : memref<!tpu.dma_semaphore, #tpu.memory_space<semaphore_mem>>) src(%arg7 : memref<128x128xf32, #tpu.memory_space<vmem>>) dst(%dma_wait3A_104 : memref<10240x128xf32, #tpu.memory_space<vmem_shared>>)
        tpu.yield
      }) : () -> ()
      %add3A_73 = arith.constant 1 : i32
      %add3A_74 = arith.addi %mul3A_58, %add3A_73 : i32
      %dma_wait3A_75 = arith.constant 0 : i32
      %dma_wait3A_76 = tpu.memref_slice %arg5[%add3A_74, %dma_wait3A_75] : memref<40x128xi32, #tpu.memory_space<vmem>> -> memref<1x128xi32, #tpu.memory_space<vmem>>
      %dma_wait3A_77 = tpu.memref_squeeze %dma_wait3A_76 : memref<1x128xi32, #tpu.memory_space<vmem>> -> memref<128xi32, #tpu.memory_space<vmem>>
      %dma_wait3A_78 = arith.constant 0 : i32
      %dma_wait3A_79 = arith.constant 0 : i32
      %dma_wait3A_80 = tpu.memref_slice %arg2[%dma_wait3A_78, %dma_wait3A_79] : memref<10240x128xf32, #tpu.memory_space<hbm>> -> memref<10240x128xf32, #tpu.memory_space<hbm>>
      tpu.wait_indirect_dma semaphore(%arg11 : memref<!tpu.dma_semaphore, #tpu.memory_space<semaphore_mem>>) src(%dma_wait3A_80 : memref<10240x128xf32, #tpu.memory_space<hbm>>) dst(%arg8 : memref<128x128xf32, #tpu.memory_space<vmem>>)
      %add3A_81 = arith.constant 2 : i32
      %add3A_82 = arith.addi %mul3A_58, %add3A_81 : i32
      %min3A = arith.constant 39 : i32
      %min3A_83 = arith.minsi %add3A_82, %min3A : i32
      %dma_start3A_84 = arith.constant 0 : i32
      %dma_start3A_85 = tpu.memref_slice %arg5[%min3A_83, %dma_start3A_84] : memref<40x128xi32, #tpu.memory_space<vmem>> -> memref<1x128xi32, #tpu.memory_space<vmem>>
      %dma_start3A_86 = tpu.memref_squeeze %dma_start3A_85 : memref<1x128xi32, #tpu.memory_space<vmem>> -> memref<128xi32, #tpu.memory_space<vmem>>
      %dma_start3A_87 = arith.constant 0 : i32
      %dma_start3A_88 = arith.constant 0 : i32
      %dma_start3A_89 = tpu.memref_slice %arg2[%dma_start3A_87, %dma_start3A_88] : memref<10240x128xf32, #tpu.memory_space<hbm>> -> memref<10240x128xf32, #tpu.memory_space<hbm>>
      tpu.enqueue_indirect_dma source(%dma_start3A_89 : memref<10240x128xf32, #tpu.memory_space<hbm>>) target(%arg7 : memref<128x128xf32, #tpu.memory_space<vmem>>) offsets(%dma_start3A_86 : memref<128xi32, #tpu.memory_space<vmem>>) semaphore(%arg10 : memref<!tpu.dma_semaphore, #tpu.memory_space<semaphore_mem>>)
      %add3A_90 = arith.constant 1 : i32
      %add3A_91 = arith.addi %mul3A_58, %add3A_90 : i32
      "tpu.region"() ({
        %run_scoped3A_92 = tpu.sem_alloc : memref<!tpu.dma_semaphore, #tpu.memory_space<semaphore_mem>>
        %dma_start3A_93 = arith.constant 0 : i32
        %dma_start3A_94 = tpu.memref_slice %arg6[%add3A_91, %dma_start3A_93] : memref<40x128xi32, #tpu.memory_space<vmem>> -> memref<1x128xi32, #tpu.memory_space<vmem>>
        %dma_start3A_95 = tpu.memref_squeeze %dma_start3A_94 : memref<1x128xi32, #tpu.memory_space<vmem>> -> memref<128xi32, #tpu.memory_space<vmem>>
        %dma_start3A_96 = arith.constant 0 : i32
        %dma_start3A_97 = arith.constant 0 : i32
        %dma_start3A_98 = tpu.memref_slice %arg9[%dma_start3A_96, %dma_start3A_97] : memref<10240x128xf32, #tpu.memory_space<vmem_shared>> -> memref<10240x128xf32, #tpu.memory_space<vmem_shared>>
        tpu.enqueue_indirect_dma source(%arg8 : memref<128x128xf32, #tpu.memory_space<vmem>>) target(%dma_start3A_98 : memref<10240x128xf32, #tpu.memory_space<vmem_shared>>) offsets(%dma_start3A_95 : memref<128xi32, #tpu.memory_space<vmem>>) semaphore(%run_scoped3A_92 : memref<!tpu.dma_semaphore, #tpu.memory_space<semaphore_mem>>) {add = true}
        %dma_wait3A_99 = arith.constant 0 : i32
        %dma_wait3A_100 = tpu.memref_slice %arg6[%add3A_91, %dma_wait3A_99] : memref<40x128xi32, #tpu.memory_space<vmem>> -> memref<1x128xi32, #tpu.memory_space<vmem>>
        %dma_wait3A_101 = tpu.memref_squeeze %dma_wait3A_100 : memref<1x128xi32, #tpu.memory_space<vmem>> -> memref<128xi32, #tpu.memory_space<vmem>>
        %dma_wait3A_102 = arith.constant 0 : i32
        %dma_wait3A_103 = arith.constant 0 : i32
        %dma_wait3A_104 = tpu.memref_slice %arg9[%dma_wait3A_102, %dma_wait3A_103] : memref<10240x128xf32, #tpu.memory_space<vmem_shared>> -> memref<10240x128xf32, #tpu.memory_space<vmem_shared>>
        tpu.wait_indirect_dma semaphore(%run_scoped3A_92 : memref<!tpu.dma_semaphore, #tpu.memory_space<semaphore_mem>>) src(%arg8 : memref<128x128xf32, #tpu.memory_space<vmem>>) dst(%dma_wait3A_104 : memref<10240x128xf32, #tpu.memory_space<vmem_shared>>)
        tpu.yield
      }) : () -> ()
    }
    %scan3A_23 = arith.constant 20 : i32
    %dma_wait3A = arith.constant 0 : i32
    %dma_wait3A_24 = arith.constant 0 : i32
    %dma_wait3A_25 = tpu.memref_slice %arg5[%dma_wait3A, %dma_wait3A_24] : memref<40x128xi32, #tpu.memory_space<vmem>> -> memref<1x128xi32, #tpu.memory_space<vmem>>
    %dma_wait3A_26 = tpu.memref_squeeze %dma_wait3A_25 : memref<1x128xi32, #tpu.memory_space<vmem>> -> memref<128xi32, #tpu.memory_space<vmem>>
    %dma_wait3A_27 = arith.constant 0 : i32
    %dma_wait3A_28 = arith.constant 0 : i32
    %dma_wait3A_29 = tpu.memref_slice %arg2[%dma_wait3A_27, %dma_wait3A_28] : memref<10240x128xf32, #tpu.memory_space<hbm>> -> memref<10240x128xf32, #tpu.memory_space<hbm>>
    tpu.wait_indirect_dma semaphore(%arg10 : memref<!tpu.dma_semaphore, #tpu.memory_space<semaphore_mem>>) src(%dma_wait3A_29 : memref<10240x128xf32, #tpu.memory_space<hbm>>) dst(%arg7 : memref<128x128xf32, #tpu.memory_space<vmem>>)
    %run_scoped3A_30 = arith.constant 0 : i32
    "tpu.region"() ({
      %run_scoped3A_52 = tpu.sem_alloc : memref<!tpu.dma_semaphore, #tpu.memory_space<semaphore_mem>>
      %dma_start3A_53 = arith.constant 40 : i32
      %dma_start3A_54 = arith.constant 0 : i32
      %dma_start3A_55 = tpu.memref_slice %arg3[%run_scoped3A_30, %add3A, %dma_start3A_53, %dma_start3A_54] : memref<2x32x80x128xi32, #tpu.memory_space<hbm>> -> memref<1x1x40x128xi32, #tpu.memory_space<hbm>>
      %dma_start3A_56 = tpu.memref_squeeze %dma_start3A_55 : memref<1x1x40x128xi32, #tpu.memory_space<hbm>> -> memref<40x128xi32, #tpu.memory_space<hbm>>
      %dma_start3A_57 = arith.constant 40 : i32
      %dma_start3A_58 = arith.constant 0 : i32
      %dma_start3A_59 = tpu.memref_slice %arg3[%run_scoped3A_30, %add3A, %dma_start3A_57, %dma_start3A_58] : memref<2x32x80x128xi32, #tpu.memory_space<hbm>> -> memref<1x1x40x128xi32, #tpu.memory_space<hbm>>
      %dma_start3A_60 = tpu.memref_squeeze %dma_start3A_59 : memref<1x1x40x128xi32, #tpu.memory_space<hbm>> -> memref<40x128xi32, #tpu.memory_space<hbm>>
      tpu.enqueue_dma source(%dma_start3A_60 : memref<40x128xi32, #tpu.memory_space<hbm>>) target(%arg5 : memref<40x128xi32, #tpu.memory_space<vmem>>) target_semaphore(%run_scoped3A_52 : memref<!tpu.dma_semaphore, #tpu.memory_space<semaphore_mem>>)
      %dma_wait3A_61 = arith.constant 40 : i32
      %dma_wait3A_62 = arith.constant 0 : i32
      %dma_wait3A_63 = tpu.memref_slice %arg3[%run_scoped3A_30, %add3A, %dma_wait3A_61, %dma_wait3A_62] : memref<2x32x80x128xi32, #tpu.memory_space<hbm>> -> memref<1x1x40x128xi32, #tpu.memory_space<hbm>>
      %dma_wait3A_64 = tpu.memref_squeeze %dma_wait3A_63 : memref<1x1x40x128xi32, #tpu.memory_space<hbm>> -> memref<40x128xi32, #tpu.memory_space<hbm>>
      %dma_wait3A_65 = arith.constant 40 : i32
      %dma_wait3A_66 = arith.constant 0 : i32
      %dma_wait3A_67 = tpu.memref_slice %arg3[%run_scoped3A_30, %add3A, %dma_wait3A_65, %dma_wait3A_66] : memref<2x32x80x128xi32, #tpu.memory_space<hbm>> -> memref<1x1x40x128xi32, #tpu.memory_space<hbm>>
      %dma_wait3A_68 = tpu.memref_squeeze %dma_wait3A_67 : memref<1x1x40x128xi32, #tpu.memory_space<hbm>> -> memref<40x128xi32, #tpu.memory_space<hbm>>
      tpu.wait_dma2 semaphore(%run_scoped3A_52 : memref<!tpu.dma_semaphore, #tpu.memory_space<semaphore_mem>>) src(%dma_wait3A_68 : memref<40x128xi32, #tpu.memory_space<hbm>>) dst(%arg5 : memref<40x128xi32, #tpu.memory_space<vmem>>)
      tpu.yield
    }) : () -> ()
    %run_scoped3A_31 = arith.constant 1 : i32
    "tpu.region"() ({
      %run_scoped3A_52 = tpu.sem_alloc : memref<!tpu.dma_semaphore, #tpu.memory_space<semaphore_mem>>
      %dma_start3A_53 = arith.constant 40 : i32
      %dma_start3A_54 = arith.constant 0 : i32
      %dma_start3A_55 = tpu.memref_slice %arg3[%run_scoped3A_31, %add3A, %dma_start3A_53, %dma_start3A_54] : memref<2x32x80x128xi32, #tpu.memory_space<hbm>> -> memref<1x1x40x128xi32, #tpu.memory_space<hbm>>
      %dma_start3A_56 = tpu.memref_squeeze %dma_start3A_55 : memref<1x1x40x128xi32, #tpu.memory_space<hbm>> -> memref<40x128xi32, #tpu.memory_space<hbm>>
      %dma_start3A_57 = arith.constant 40 : i32
      %dma_start3A_58 = arith.constant 0 : i32
      %dma_start3A_59 = tpu.memref_slice %arg3[%run_scoped3A_31, %add3A, %dma_start3A_57, %dma_start3A_58] : memref<2x32x80x128xi32, #tpu.memory_space<hbm>> -> memref<1x1x40x128xi32, #tpu.memory_space<hbm>>
      %dma_start3A_60 = tpu.memref_squeeze %dma_start3A_59 : memref<1x1x40x128xi32, #tpu.memory_space<hbm>> -> memref<40x128xi32, #tpu.memory_space<hbm>>
      tpu.enqueue_dma source(%dma_start3A_60 : memref<40x128xi32, #tpu.memory_space<hbm>>) target(%arg6 : memref<40x128xi32, #tpu.memory_space<vmem>>) target_semaphore(%run_scoped3A_52 : memref<!tpu.dma_semaphore, #tpu.memory_space<semaphore_mem>>)
      %dma_wait3A_61 = arith.constant 40 : i32
      %dma_wait3A_62 = arith.constant 0 : i32
      %dma_wait3A_63 = tpu.memref_slice %arg3[%run_scoped3A_31, %add3A, %dma_wait3A_61, %dma_wait3A_62] : memref<2x32x80x128xi32, #tpu.memory_space<hbm>> -> memref<1x1x40x128xi32, #tpu.memory_space<hbm>>
      %dma_wait3A_64 = tpu.memref_squeeze %dma_wait3A_63 : memref<1x1x40x128xi32, #tpu.memory_space<hbm>> -> memref<40x128xi32, #tpu.memory_space<hbm>>
      %dma_wait3A_65 = arith.constant 40 : i32
      %dma_wait3A_66 = arith.constant 0 : i32
      %dma_wait3A_67 = tpu.memref_slice %arg3[%run_scoped3A_31, %add3A, %dma_wait3A_65, %dma_wait3A_66] : memref<2x32x80x128xi32, #tpu.memory_space<hbm>> -> memref<1x1x40x128xi32, #tpu.memory_space<hbm>>
      %dma_wait3A_68 = tpu.memref_squeeze %dma_wait3A_67 : memref<1x1x40x128xi32, #tpu.memory_space<hbm>> -> memref<40x128xi32, #tpu.memory_space<hbm>>
      tpu.wait_dma2 semaphore(%run_scoped3A_52 : memref<!tpu.dma_semaphore, #tpu.memory_space<semaphore_mem>>) src(%dma_wait3A_68 : memref<40x128xi32, #tpu.memory_space<hbm>>) dst(%arg6 : memref<40x128xi32, #tpu.memory_space<vmem>>)
      tpu.yield
    }) : () -> ()
    %dma_start3A_32 = arith.constant 0 : i32
    %dma_start3A_33 = arith.constant 0 : i32
    %dma_start3A_34 = tpu.memref_slice %arg5[%dma_start3A_32, %dma_start3A_33] : memref<40x128xi32, #tpu.memory_space<vmem>> -> memref<1x128xi32, #tpu.memory_space<vmem>>
    %dma_start3A_35 = tpu.memref_squeeze %dma_start3A_34 : memref<1x128xi32, #tpu.memory_space<vmem>> -> memref<128xi32, #tpu.memory_space<vmem>>
    %dma_start3A_36 = arith.constant 0 : i32
    %dma_start3A_37 = arith.constant 0 : i32
    %dma_start3A_38 = tpu.memref_slice %arg2[%dma_start3A_36, %dma_start3A_37] : memref<10240x128xf32, #tpu.memory_space<hbm>> -> memref<10240x128xf32, #tpu.memory_space<hbm>>
    tpu.enqueue_indirect_dma source(%dma_start3A_38 : memref<10240x128xf32, #tpu.memory_space<hbm>>) target(%arg7 : memref<128x128xf32, #tpu.memory_space<vmem>>) offsets(%dma_start3A_35 : memref<128xi32, #tpu.memory_space<vmem>>) semaphore(%arg10 : memref<!tpu.dma_semaphore, #tpu.memory_space<semaphore_mem>>)
    %scan3A_39 = arith.constant 0 : i32
    %scan3A_40 = arith.constant 20 : i32
    %scan3A_41 = arith.addi %scan3A_39, %scan3A_40 : i32
    %scan3A_42 = arith.constant 1 : i32
    scf.for %scan3A_52 = %scan3A_39 to %scan3A_41 step %scan3A_42  : i32 {
      %mul3A_53 = arith.constant 1 : i32
      %mul3A_54 = arith.muli %scan3A_52, %mul3A_53 : i32
      %add3A_55 = arith.constant 0 : i32
      %add3A_56 = arith.addi %add3A_55, %mul3A_54 : i32
      %mul3A_57 = arith.constant 2 : i32
      %mul3A_58 = arith.muli %add3A_56, %mul3A_57 : i32
      %dma_wait3A_59 = arith.constant 0 : i32
      %dma_wait3A_60 = tpu.memref_slice %arg5[%mul3A_58, %dma_wait3A_59] : memref<40x128xi32, #tpu.memory_space<vmem>> -> memref<1x128xi32, #tpu.memory_space<vmem>>
      %dma_wait3A_61 = tpu.memref_squeeze %dma_wait3A_60 : memref<1x128xi32, #tpu.memory_space<vmem>> -> memref<128xi32, #tpu.memory_space<vmem>>
      %dma_wait3A_62 = arith.constant 0 : i32
      %dma_wait3A_63 = arith.constant 0 : i32
      %dma_wait3A_64 = tpu.memref_slice %arg2[%dma_wait3A_62, %dma_wait3A_63] : memref<10240x128xf32, #tpu.memory_space<hbm>> -> memref<10240x128xf32, #tpu.memory_space<hbm>>
      tpu.wait_indirect_dma semaphore(%arg10 : memref<!tpu.dma_semaphore, #tpu.memory_space<semaphore_mem>>) src(%dma_wait3A_64 : memref<10240x128xf32, #tpu.memory_space<hbm>>) dst(%arg7 : memref<128x128xf32, #tpu.memory_space<vmem>>)
      %add3A_65 = arith.constant 1 : i32
      %add3A_66 = arith.addi %mul3A_58, %add3A_65 : i32
      %dma_start3A_67 = arith.constant 0 : i32
      %dma_start3A_68 = tpu.memref_slice %arg5[%add3A_66, %dma_start3A_67] : memref<40x128xi32, #tpu.memory_space<vmem>> -> memref<1x128xi32, #tpu.memory_space<vmem>>
      %dma_start3A_69 = tpu.memref_squeeze %dma_start3A_68 : memref<1x128xi32, #tpu.memory_space<vmem>> -> memref<128xi32, #tpu.memory_space<vmem>>
      %dma_start3A_70 = arith.constant 0 : i32
      %dma_start3A_71 = arith.constant 0 : i32
      %dma_start3A_72 = tpu.memref_slice %arg2[%dma_start3A_70, %dma_start3A_71] : memref<10240x128xf32, #tpu.memory_space<hbm>> -> memref<10240x128xf32, #tpu.memory_space<hbm>>
      tpu.enqueue_indirect_dma source(%dma_start3A_72 : memref<10240x128xf32, #tpu.memory_space<hbm>>) target(%arg8 : memref<128x128xf32, #tpu.memory_space<vmem>>) offsets(%dma_start3A_69 : memref<128xi32, #tpu.memory_space<vmem>>) semaphore(%arg11 : memref<!tpu.dma_semaphore, #tpu.memory_space<semaphore_mem>>)
      "tpu.region"() ({
        %run_scoped3A_92 = tpu.sem_alloc : memref<!tpu.dma_semaphore, #tpu.memory_space<semaphore_mem>>
        %dma_start3A_93 = arith.constant 0 : i32
        %dma_start3A_94 = tpu.memref_slice %arg6[%mul3A_58, %dma_start3A_93] : memref<40x128xi32, #tpu.memory_space<vmem>> -> memref<1x128xi32, #tpu.memory_space<vmem>>
        %dma_start3A_95 = tpu.memref_squeeze %dma_start3A_94 : memref<1x128xi32, #tpu.memory_space<vmem>> -> memref<128xi32, #tpu.memory_space<vmem>>
        %dma_start3A_96 = arith.constant 0 : i32
        %dma_start3A_97 = arith.constant 0 : i32
        %dma_start3A_98 = tpu.memref_slice %arg9[%dma_start3A_96, %dma_start3A_97] : memref<10240x128xf32, #tpu.memory_space<vmem_shared>> -> memref<10240x128xf32, #tpu.memory_space<vmem_shared>>
        tpu.enqueue_indirect_dma source(%arg7 : memref<128x128xf32, #tpu.memory_space<vmem>>) target(%dma_start3A_98 : memref<10240x128xf32, #tpu.memory_space<vmem_shared>>) offsets(%dma_start3A_95 : memref<128xi32, #tpu.memory_space<vmem>>) semaphore(%run_scoped3A_92 : memref<!tpu.dma_semaphore, #tpu.memory_space<semaphore_mem>>) {add = true}
        %dma_wait3A_99 = arith.constant 0 : i32
        %dma_wait3A_100 = tpu.memref_slice %arg6[%mul3A_58, %dma_wait3A_99] : memref<40x128xi32, #tpu.memory_space<vmem>> -> memref<1x128xi32, #tpu.memory_space<vmem>>
        %dma_wait3A_101 = tpu.memref_squeeze %dma_wait3A_100 : memref<1x128xi32, #tpu.memory_space<vmem>> -> memref<128xi32, #tpu.memory_space<vmem>>
        %dma_wait3A_102 = arith.constant 0 : i32
        %dma_wait3A_103 = arith.constant 0 : i32
        %dma_wait3A_104 = tpu.memref_slice %arg9[%dma_wait3A_102, %dma_wait3A_103] : memref<10240x128xf32, #tpu.memory_space<vmem_shared>> -> memref<10240x128xf32, #tpu.memory_space<vmem_shared>>
        tpu.wait_indirect_dma semaphore(%run_scoped3A_92 : memref<!tpu.dma_semaphore, #tpu.memory_space<semaphore_mem>>) src(%arg7 : memref<128x128xf32, #tpu.memory_space<vmem>>) dst(%dma_wait3A_104 : memref<10240x128xf32, #tpu.memory_space<vmem_shared>>)
        tpu.yield
      }) : () -> ()
      %add3A_73 = arith.constant 1 : i32
      %add3A_74 = arith.addi %mul3A_58, %add3A_73 : i32
      %dma_wait3A_75 = arith.constant 0 : i32
      %dma_wait3A_76 = tpu.memref_slice %arg5[%add3A_74, %dma_wait3A_75] : memref<40x128xi32, #tpu.memory_space<vmem>> -> memref<1x128xi32, #tpu.memory_space<vmem>>
      %dma_wait3A_77 = tpu.memref_squeeze %dma_wait3A_76 : memref<1x128xi32, #tpu.memory_space<vmem>> -> memref<128xi32, #tpu.memory_space<vmem>>
      %dma_wait3A_78 = arith.constant 0 : i32
      %dma_wait3A_79 = arith.constant 0 : i32
      %dma_wait3A_80 = tpu.memref_slice %arg2[%dma_wait3A_78, %dma_wait3A_79] : memref<10240x128xf32, #tpu.memory_space<hbm>> -> memref<10240x128xf32, #tpu.memory_space<hbm>>
      tpu.wait_indirect_dma semaphore(%arg11 : memref<!tpu.dma_semaphore, #tpu.memory_space<semaphore_mem>>) src(%dma_wait3A_80 : memref<10240x128xf32, #tpu.memory_space<hbm>>) dst(%arg8 : memref<128x128xf32, #tpu.memory_space<vmem>>)
      %add3A_81 = arith.constant 2 : i32
      %add3A_82 = arith.addi %mul3A_58, %add3A_81 : i32
      %min3A = arith.constant 39 : i32
      %min3A_83 = arith.minsi %add3A_82, %min3A : i32
      %dma_start3A_84 = arith.constant 0 : i32
      %dma_start3A_85 = tpu.memref_slice %arg5[%min3A_83, %dma_start3A_84] : memref<40x128xi32, #tpu.memory_space<vmem>> -> memref<1x128xi32, #tpu.memory_space<vmem>>
      %dma_start3A_86 = tpu.memref_squeeze %dma_start3A_85 : memref<1x128xi32, #tpu.memory_space<vmem>> -> memref<128xi32, #tpu.memory_space<vmem>>
      %dma_start3A_87 = arith.constant 0 : i32
      %dma_start3A_88 = arith.constant 0 : i32
      %dma_start3A_89 = tpu.memref_slice %arg2[%dma_start3A_87, %dma_start3A_88] : memref<10240x128xf32, #tpu.memory_space<hbm>> -> memref<10240x128xf32, #tpu.memory_space<hbm>>
      tpu.enqueue_indirect_dma source(%dma_start3A_89 : memref<10240x128xf32, #tpu.memory_space<hbm>>) target(%arg7 : memref<128x128xf32, #tpu.memory_space<vmem>>) offsets(%dma_start3A_86 : memref<128xi32, #tpu.memory_space<vmem>>) semaphore(%arg10 : memref<!tpu.dma_semaphore, #tpu.memory_space<semaphore_mem>>)
      %add3A_90 = arith.constant 1 : i32
      %add3A_91 = arith.addi %mul3A_58, %add3A_90 : i32
      "tpu.region"() ({
        %run_scoped3A_92 = tpu.sem_alloc : memref<!tpu.dma_semaphore, #tpu.memory_space<semaphore_mem>>
        %dma_start3A_93 = arith.constant 0 : i32
        %dma_start3A_94 = tpu.memref_slice %arg6[%add3A_91, %dma_start3A_93] : memref<40x128xi32, #tpu.memory_space<vmem>> -> memref<1x128xi32, #tpu.memory_space<vmem>>
        %dma_start3A_95 = tpu.memref_squeeze %dma_start3A_94 : memref<1x128xi32, #tpu.memory_space<vmem>> -> memref<128xi32, #tpu.memory_space<vmem>>
        %dma_start3A_96 = arith.constant 0 : i32
        %dma_start3A_97 = arith.constant 0 : i32
        %dma_start3A_98 = tpu.memref_slice %arg9[%dma_start3A_96, %dma_start3A_97] : memref<10240x128xf32, #tpu.memory_space<vmem_shared>> -> memref<10240x128xf32, #tpu.memory_space<vmem_shared>>
        tpu.enqueue_indirect_dma source(%arg8 : memref<128x128xf32, #tpu.memory_space<vmem>>) target(%dma_start3A_98 : memref<10240x128xf32, #tpu.memory_space<vmem_shared>>) offsets(%dma_start3A_95 : memref<128xi32, #tpu.memory_space<vmem>>) semaphore(%run_scoped3A_92 : memref<!tpu.dma_semaphore, #tpu.memory_space<semaphore_mem>>) {add = true}
        %dma_wait3A_99 = arith.constant 0 : i32
        %dma_wait3A_100 = tpu.memref_slice %arg6[%add3A_91, %dma_wait3A_99] : memref<40x128xi32, #tpu.memory_space<vmem>> -> memref<1x128xi32, #tpu.memory_space<vmem>>
        %dma_wait3A_101 = tpu.memref_squeeze %dma_wait3A_100 : memref<1x128xi32, #tpu.memory_space<vmem>> -> memref<128xi32, #tpu.memory_space<vmem>>
        %dma_wait3A_102 = arith.constant 0 : i32
        %dma_wait3A_103 = arith.constant 0 : i32
        %dma_wait3A_104 = tpu.memref_slice %arg9[%dma_wait3A_102, %dma_wait3A_103] : memref<10240x128xf32, #tpu.memory_space<vmem_shared>> -> memref<10240x128xf32, #tpu.memory_space<vmem_shared>>
        tpu.wait_indirect_dma semaphore(%run_scoped3A_92 : memref<!tpu.dma_semaphore, #tpu.memory_space<semaphore_mem>>) src(%arg8 : memref<128x128xf32, #tpu.memory_space<vmem>>) dst(%dma_wait3A_104 : memref<10240x128xf32, #tpu.memory_space<vmem_shared>>)
        tpu.yield
      }) : () -> ()
    }
    %scan3A_43 = arith.constant 20 : i32
    %dma_wait3A_44 = arith.constant 0 : i32
    %dma_wait3A_45 = arith.constant 0 : i32
    %dma_wait3A_46 = tpu.memref_slice %arg5[%dma_wait3A_44, %dma_wait3A_45] : memref<40x128xi32, #tpu.memory_space<vmem>> -> memref<1x128xi32, #tpu.memory_space<vmem>>
    %dma_wait3A_47 = tpu.memref_squeeze %dma_wait3A_46 : memref<1x128xi32, #tpu.memory_space<vmem>> -> memref<128xi32, #tpu.memory_space<vmem>>
    %dma_wait3A_48 = arith.constant 0 : i32
    %dma_wait3A_49 = arith.constant 0 : i32
    %dma_wait3A_50 = tpu.memref_slice %arg2[%dma_wait3A_48, %dma_wait3A_49] : memref<10240x128xf32, #tpu.memory_space<hbm>> -> memref<10240x128xf32, #tpu.memory_space<hbm>>
    tpu.wait_indirect_dma semaphore(%arg10 : memref<!tpu.dma_semaphore, #tpu.memory_space<semaphore_mem>>) src(%dma_wait3A_50 : memref<10240x128xf32, #tpu.memory_space<hbm>>) dst(%arg7 : memref<128x128xf32, #tpu.memory_space<vmem>>)
    %barrier3A_51 = arith.constant 0 : index
    tpu.barrier barrier_id(%barrier3A_51)
    "tpu.region"() ({
      %run_scoped3A_52 = tpu.sem_alloc : memref<!tpu.dma_semaphore, #tpu.memory_space<semaphore_mem>>
      %dma_start3A_53 = arith.constant 0 : i32
      %dma_start3A_54 = tpu.memref_slice %arg4[%arg0, %mul3A_2, %dma_start3A_53] : memref<2x10240x128xf32, #tpu.memory_space<hbm>> -> memref<1x640x128xf32, #tpu.memory_space<hbm>>
      %dma_start3A_55 = tpu.memref_squeeze %dma_start3A_54 : memref<1x640x128xf32, #tpu.memory_space<hbm>> -> memref<640x128xf32, #tpu.memory_space<hbm>>
      %dma_start3A_56 = arith.constant 0 : i32
      %dma_start3A_57 = tpu.memref_slice %arg9[%mul3A_2, %dma_start3A_56] : memref<10240x128xf32, #tpu.memory_space<vmem_shared>> -> memref<640x128xf32, #tpu.memory_space<vmem_shared>>
      tpu.enqueue_dma source(%dma_start3A_57 : memref<640x128xf32, #tpu.memory_space<vmem_shared>>) target(%dma_start3A_55 : memref<640x128xf32, #tpu.memory_space<hbm>>) target_semaphore(%run_scoped3A_52 : memref<!tpu.dma_semaphore, #tpu.memory_space<semaphore_mem>>)
      %dma_wait3A_58 = arith.constant 0 : i32
      %dma_wait3A_59 = tpu.memref_slice %arg4[%arg0, %mul3A_2, %dma_wait3A_58] : memref<2x10240x128xf32, #tpu.memory_space<hbm>> -> memref<1x640x128xf32, #tpu.memory_space<hbm>>
      %dma_wait3A_60 = tpu.memref_squeeze %dma_wait3A_59 : memref<1x640x128xf32, #tpu.memory_space<hbm>> -> memref<640x128xf32, #tpu.memory_space<hbm>>
      %dma_wait3A_61 = arith.constant 0 : i32
      %dma_wait3A_62 = tpu.memref_slice %arg9[%mul3A_2, %dma_wait3A_61] : memref<10240x128xf32, #tpu.memory_space<vmem_shared>> -> memref<640x128xf32, #tpu.memory_space<vmem_shared>>
      tpu.wait_dma2 semaphore(%run_scoped3A_52 : memref<!tpu.dma_semaphore, #tpu.memory_space<semaphore_mem>>) src(%dma_wait3A_62 : memref<640x128xf32, #tpu.memory_space<vmem_shared>>) dst(%dma_wait3A_60 : memref<640x128xf32, #tpu.memory_space<hbm>>)
      tpu.yield
    }) : () -> ()
    return
  }
}

#map = affine_map<(d0, d1) -> (0, 0, 0, 0)>
#map1 = affine_map<(d0, d1) -> (0, 0)>
module attributes {stable_mosaic.version = 14 : i64} {
  func.func @k(%arg0: i32, %arg1: i32, %arg2: memref<2x32x80x128xi32, #tpu.memory_space<hbm>>, %arg3: memref<2x10240xf32, #tpu.memory_space<hbm>>, %arg4: memref<80x128xi32, #tpu.memory_space<vmem>>, %arg5: memref<128xf32, #tpu.memory_space<vmem>>, %arg6: memref<640xf32, #tpu.memory_space<vmem>>, %arg7: memref<10240xf32, #tpu.memory_space<vmem_shared>>) attributes {dimension_semantics = [#tpu.dimension_semantics<core_parallel>, #tpu.dimension_semantics<subcore_parallel>], iteration_bounds = array<i64: 2, 16>, scalar_prefetch = 0 : i64, scratch_operands = 4 : i64, tpu.core_type = #tpu.core_type<sc_vector_subcore>, window_params = [{transform_indices = #map}, {transform_indices = #map1}]} {
    %mul3A = arith.constant 16 : i32
    %mul3A_0 = arith.muli %arg0, %mul3A : i32
    %add3A = arith.addi %mul3A_0, %arg1 : i32
    %scan3A = arith.constant 0 : i32
    %scan3A_1 = arith.constant 40 : i32
    %scan3A_2 = arith.addi %scan3A, %scan3A_1 : i32
    %scan3A_3 = arith.constant 1 : i32
    scf.for %scan3A_61 = %scan3A to %scan3A_2 step %scan3A_3  : i32 {
      %mul3A_62 = arith.constant 1 : i32
      %mul3A_63 = arith.muli %scan3A_61, %mul3A_62 : i32
      %add3A_64 = arith.constant 0 : i32
      %add3A_65 = arith.addi %add3A_64, %mul3A_63 : i32
      %broadcast_in_dim3A_66 = arith.constant 0.000000e+00 : f32
      %broadcast_in_dim3A_67 = vector.broadcast %broadcast_in_dim3A_66 : f32 to vector<16xf32>
      %mul3A_68 = arith.constant 16 : i32
      %mul3A_69 = arith.muli %add3A_65, %mul3A_68 : i32
      %swap3A_70 = arith.index_cast %mul3A_69 : i32 to index
      %swap3A_71 = tpu.vector_load %arg6[%swap3A_70] {strides = array<i32>} : memref<640xf32, #tpu.memory_space<vmem>>, vector<16xf32>,
      %swap3A_72 = vector.shape_cast %swap3A_71 : vector<16xf32> to vector<16xf32>
      %swap3A_73 = vector.shape_cast %broadcast_in_dim3A_67 : vector<16xf32> to vector<16xf32>
      tpu.vector_store %arg6[%swap3A_70], %swap3A_73 {strides = array<i32>} : memref<640xf32, #tpu.memory_space<vmem>>, vector<16xf32>,
    }
    %scan3A_4 = arith.constant 40 : i32
    %broadcast_in_dim3A = arith.constant 1.000000e+00 : f32
    %broadcast_in_dim3A_5 = vector.broadcast %broadcast_in_dim3A : f32 to vector<16xf32>
    %swap3A = arith.constant 0 : index
    %swap3A_6 = tpu.vector_load %arg5[%swap3A] {strides = array<i32>} : memref<128xf32, #tpu.memory_space<vmem>>, vector<16xf32>,
    %swap3A_7 = vector.shape_cast %swap3A_6 : vector<16xf32> to vector<16xf32>
    %swap3A_8 = vector.shape_cast %broadcast_in_dim3A_5 : vector<16xf32> to vector<16xf32>
    tpu.vector_store %arg5[%swap3A], %swap3A_8 {strides = array<i32>} : memref<128xf32, #tpu.memory_space<vmem>>, vector<16xf32>,
    %broadcast_in_dim3A_9 = arith.constant 1.000000e+00 : f32
    %broadcast_in_dim3A_10 = vector.broadcast %broadcast_in_dim3A_9 : f32 to vector<16xf32>
    %swap3A_11 = arith.constant 16 : index
    %swap3A_12 = tpu.vector_load %arg5[%swap3A_11] {strides = array<i32>} : memref<128xf32, #tpu.memory_space<vmem>>, vector<16xf32>,
    %swap3A_13 = vector.shape_cast %swap3A_12 : vector<16xf32> to vector<16xf32>
    %swap3A_14 = vector.shape_cast %broadcast_in_dim3A_10 : vector<16xf32> to vector<16xf32>
    tpu.vector_store %arg5[%swap3A_11], %swap3A_14 {strides = array<i32>} : memref<128xf32, #tpu.memory_space<vmem>>, vector<16xf32>,
    %broadcast_in_dim3A_15 = arith.constant 1.000000e+00 : f32
    %broadcast_in_dim3A_16 = vector.broadcast %broadcast_in_dim3A_15 : f32 to vector<16xf32>
    %swap3A_17 = arith.constant 32 : index
    %swap3A_18 = tpu.vector_load %arg5[%swap3A_17] {strides = array<i32>} : memref<128xf32, #tpu.memory_space<vmem>>, vector<16xf32>,
    %swap3A_19 = vector.shape_cast %swap3A_18 : vector<16xf32> to vector<16xf32>
    %swap3A_20 = vector.shape_cast %broadcast_in_dim3A_16 : vector<16xf32> to vector<16xf32>
    tpu.vector_store %arg5[%swap3A_17], %swap3A_20 {strides = array<i32>} : memref<128xf32, #tpu.memory_space<vmem>>, vector<16xf32>,
    %broadcast_in_dim3A_21 = arith.constant 1.000000e+00 : f32
    %broadcast_in_dim3A_22 = vector.broadcast %broadcast_in_dim3A_21 : f32 to vector<16xf32>
    %swap3A_23 = arith.constant 48 : index
    %swap3A_24 = tpu.vector_load %arg5[%swap3A_23] {strides = array<i32>} : memref<128xf32, #tpu.memory_space<vmem>>, vector<16xf32>,
    %swap3A_25 = vector.shape_cast %swap3A_24 : vector<16xf32> to vector<16xf32>
    %swap3A_26 = vector.shape_cast %broadcast_in_dim3A_22 : vector<16xf32> to vector<16xf32>
    tpu.vector_store %arg5[%swap3A_23], %swap3A_26 {strides = array<i32>} : memref<128xf32, #tpu.memory_space<vmem>>, vector<16xf32>,
    %broadcast_in_dim3A_27 = arith.constant 1.000000e+00 : f32
    %broadcast_in_dim3A_28 = vector.broadcast %broadcast_in_dim3A_27 : f32 to vector<16xf32>
    %swap3A_29 = arith.constant 64 : index
    %swap3A_30 = tpu.vector_load %arg5[%swap3A_29] {strides = array<i32>} : memref<128xf32, #tpu.memory_space<vmem>>, vector<16xf32>,
    %swap3A_31 = vector.shape_cast %swap3A_30 : vector<16xf32> to vector<16xf32>
    %swap3A_32 = vector.shape_cast %broadcast_in_dim3A_28 : vector<16xf32> to vector<16xf32>
    tpu.vector_store %arg5[%swap3A_29], %swap3A_32 {strides = array<i32>} : memref<128xf32, #tpu.memory_space<vmem>>, vector<16xf32>,
    %broadcast_in_dim3A_33 = arith.constant 1.000000e+00 : f32
    %broadcast_in_dim3A_34 = vector.broadcast %broadcast_in_dim3A_33 : f32 to vector<16xf32>
    %swap3A_35 = arith.constant 80 : index
    %swap3A_36 = tpu.vector_load %arg5[%swap3A_35] {strides = array<i32>} : memref<128xf32, #tpu.memory_space<vmem>>, vector<16xf32>,
    %swap3A_37 = vector.shape_cast %swap3A_36 : vector<16xf32> to vector<16xf32>
    %swap3A_38 = vector.shape_cast %broadcast_in_dim3A_34 : vector<16xf32> to vector<16xf32>
    tpu.vector_store %arg5[%swap3A_35], %swap3A_38 {strides = array<i32>} : memref<128xf32, #tpu.memory_space<vmem>>, vector<16xf32>,
    %broadcast_in_dim3A_39 = arith.constant 1.000000e+00 : f32
    %broadcast_in_dim3A_40 = vector.broadcast %broadcast_in_dim3A_39 : f32 to vector<16xf32>
    %swap3A_41 = arith.constant 96 : index
    %swap3A_42 = tpu.vector_load %arg5[%swap3A_41] {strides = array<i32>} : memref<128xf32, #tpu.memory_space<vmem>>, vector<16xf32>,
    %swap3A_43 = vector.shape_cast %swap3A_42 : vector<16xf32> to vector<16xf32>
    %swap3A_44 = vector.shape_cast %broadcast_in_dim3A_40 : vector<16xf32> to vector<16xf32>
    tpu.vector_store %arg5[%swap3A_41], %swap3A_44 {strides = array<i32>} : memref<128xf32, #tpu.memory_space<vmem>>, vector<16xf32>,
    %broadcast_in_dim3A_45 = arith.constant 1.000000e+00 : f32
    %broadcast_in_dim3A_46 = vector.broadcast %broadcast_in_dim3A_45 : f32 to vector<16xf32>
    %swap3A_47 = arith.constant 112 : index
    %swap3A_48 = tpu.vector_load %arg5[%swap3A_47] {strides = array<i32>} : memref<128xf32, #tpu.memory_space<vmem>>, vector<16xf32>,
    %swap3A_49 = vector.shape_cast %swap3A_48 : vector<16xf32> to vector<16xf32>
    %swap3A_50 = vector.shape_cast %broadcast_in_dim3A_46 : vector<16xf32> to vector<16xf32>
    tpu.vector_store %arg5[%swap3A_47], %swap3A_50 {strides = array<i32>} : memref<128xf32, #tpu.memory_space<vmem>>, vector<16xf32>,
    %mul3A_51 = arith.constant 640 : i32
    %mul3A_52 = arith.muli %arg1, %mul3A_51 : i32
    "tpu.region"() ({
      %run_scoped3A_61 = tpu.sem_alloc : memref<!tpu.dma_semaphore, #tpu.memory_space<semaphore_mem>>
      %dma_start3A = tpu.memref_slice %arg7[%mul3A_52] : memref<10240xf32, #tpu.memory_space<vmem_shared>> -> memref<640xf32, #tpu.memory_space<vmem_shared>>
      %dma_start3A_62 = tpu.memref_slice %arg7[%mul3A_52] : memref<10240xf32, #tpu.memory_space<vmem_shared>> -> memref<640xf32, #tpu.memory_space<vmem_shared>>
      tpu.enqueue_dma source(%arg6 : memref<640xf32, #tpu.memory_space<vmem>>) target(%dma_start3A_62 : memref<640xf32, #tpu.memory_space<vmem_shared>>) target_semaphore(%run_scoped3A_61 : memref<!tpu.dma_semaphore, #tpu.memory_space<semaphore_mem>>)
      %dma_wait3A = tpu.memref_slice %arg7[%mul3A_52] : memref<10240xf32, #tpu.memory_space<vmem_shared>> -> memref<640xf32, #tpu.memory_space<vmem_shared>>
      %dma_wait3A_63 = tpu.memref_slice %arg7[%mul3A_52] : memref<10240xf32, #tpu.memory_space<vmem_shared>> -> memref<640xf32, #tpu.memory_space<vmem_shared>>
      tpu.wait_dma2 semaphore(%run_scoped3A_61 : memref<!tpu.dma_semaphore, #tpu.memory_space<semaphore_mem>>) src(%arg6 : memref<640xf32, #tpu.memory_space<vmem>>) dst(%dma_wait3A_63 : memref<640xf32, #tpu.memory_space<vmem_shared>>)
      tpu.yield
    }) : () -> ()
    %run_scoped3A = arith.constant 1 : i32
    "tpu.region"() ({
      %run_scoped3A_61 = tpu.sem_alloc : memref<!tpu.dma_semaphore, #tpu.memory_space<semaphore_mem>>
      %dma_start3A = arith.constant 0 : i32
      %dma_start3A_62 = arith.constant 0 : i32
      %dma_start3A_63 = tpu.memref_slice %arg2[%run_scoped3A, %add3A, %dma_start3A, %dma_start3A_62] : memref<2x32x80x128xi32, #tpu.memory_space<hbm>> -> memref<1x1x80x128xi32, #tpu.memory_space<hbm>>
      %dma_start3A_64 = tpu.memref_squeeze %dma_start3A_63 : memref<1x1x80x128xi32, #tpu.memory_space<hbm>> -> memref<80x128xi32, #tpu.memory_space<hbm>>
      %dma_start3A_65 = arith.constant 0 : i32
      %dma_start3A_66 = arith.constant 0 : i32
      %dma_start3A_67 = tpu.memref_slice %arg2[%run_scoped3A, %add3A, %dma_start3A_65, %dma_start3A_66] : memref<2x32x80x128xi32, #tpu.memory_space<hbm>> -> memref<1x1x80x128xi32, #tpu.memory_space<hbm>>
      %dma_start3A_68 = tpu.memref_squeeze %dma_start3A_67 : memref<1x1x80x128xi32, #tpu.memory_space<hbm>> -> memref<80x128xi32, #tpu.memory_space<hbm>>
      tpu.enqueue_dma source(%dma_start3A_68 : memref<80x128xi32, #tpu.memory_space<hbm>>) target(%arg4 : memref<80x128xi32, #tpu.memory_space<vmem>>) target_semaphore(%run_scoped3A_61 : memref<!tpu.dma_semaphore, #tpu.memory_space<semaphore_mem>>)
      %dma_wait3A = arith.constant 0 : i32
      %dma_wait3A_69 = arith.constant 0 : i32
      %dma_wait3A_70 = tpu.memref_slice %arg2[%run_scoped3A, %add3A, %dma_wait3A, %dma_wait3A_69] : memref<2x32x80x128xi32, #tpu.memory_space<hbm>> -> memref<1x1x80x128xi32, #tpu.memory_space<hbm>>
      %dma_wait3A_71 = tpu.memref_squeeze %dma_wait3A_70 : memref<1x1x80x128xi32, #tpu.memory_space<hbm>> -> memref<80x128xi32, #tpu.memory_space<hbm>>
      %dma_wait3A_72 = arith.constant 0 : i32
      %dma_wait3A_73 = arith.constant 0 : i32
      %dma_wait3A_74 = tpu.memref_slice %arg2[%run_scoped3A, %add3A, %dma_wait3A_72, %dma_wait3A_73] : memref<2x32x80x128xi32, #tpu.memory_space<hbm>> -> memref<1x1x80x128xi32, #tpu.memory_space<hbm>>
      %dma_wait3A_75 = tpu.memref_squeeze %dma_wait3A_74 : memref<1x1x80x128xi32, #tpu.memory_space<hbm>> -> memref<80x128xi32, #tpu.memory_space<hbm>>
      tpu.wait_dma2 semaphore(%run_scoped3A_61 : memref<!tpu.dma_semaphore, #tpu.memory_space<semaphore_mem>>) src(%dma_wait3A_75 : memref<80x128xi32, #tpu.memory_space<hbm>>) dst(%arg4 : memref<80x128xi32, #tpu.memory_space<vmem>>)
      tpu.yield
    }) : () -> ()
    %barrier3A = arith.constant 0 : index
    tpu.barrier barrier_id(%barrier3A)
    %scan3A_53 = arith.constant 0 : i32
    %scan3A_54 = arith.constant 80 : i32
    %scan3A_55 = arith.addi %scan3A_53, %scan3A_54 : i32
    %scan3A_56 = arith.constant 1 : i32
    scf.for %scan3A_61 = %scan3A_53 to %scan3A_55 step %scan3A_56  : i32 {
      %mul3A_62 = arith.constant 1 : i32
      %mul3A_63 = arith.muli %scan3A_61, %mul3A_62 : i32
      %add3A_64 = arith.constant 0 : i32
      %add3A_65 = arith.addi %add3A_64, %mul3A_63 : i32
      "tpu.region"() ({
        %run_scoped3A_66 = tpu.sem_alloc : memref<!tpu.dma_semaphore, #tpu.memory_space<semaphore_mem>>
        %dma_start3A = arith.constant 0 : i32
        %dma_start3A_67 = tpu.memref_slice %arg4[%add3A_65, %dma_start3A] : memref<80x128xi32, #tpu.memory_space<vmem>> -> memref<1x128xi32, #tpu.memory_space<vmem>>
        %dma_start3A_68 = tpu.memref_squeeze %dma_start3A_67 : memref<1x128xi32, #tpu.memory_space<vmem>> -> memref<128xi32, #tpu.memory_space<vmem>>
        %dma_start3A_69 = arith.constant 0 : i32
        %dma_start3A_70 = tpu.memref_slice %arg7[%dma_start3A_69] : memref<10240xf32, #tpu.memory_space<vmem_shared>> -> memref<10240xf32, #tpu.memory_space<vmem_shared>>
        tpu.enqueue_indirect_dma source(%arg5 : memref<128xf32, #tpu.memory_space<vmem>>) target(%dma_start3A_70 : memref<10240xf32, #tpu.memory_space<vmem_shared>>) offsets(%dma_start3A_68 : memref<128xi32, #tpu.memory_space<vmem>>) semaphore(%run_scoped3A_66 : memref<!tpu.dma_semaphore, #tpu.memory_space<semaphore_mem>>) {add = true}
        %dma_wait3A = arith.constant 0 : i32
        %dma_wait3A_71 = tpu.memref_slice %arg4[%add3A_65, %dma_wait3A] : memref<80x128xi32, #tpu.memory_space<vmem>> -> memref<1x128xi32, #tpu.memory_space<vmem>>
        %dma_wait3A_72 = tpu.memref_squeeze %dma_wait3A_71 : memref<1x128xi32, #tpu.memory_space<vmem>> -> memref<128xi32, #tpu.memory_space<vmem>>
        %dma_wait3A_73 = arith.constant 0 : i32
        %dma_wait3A_74 = tpu.memref_slice %arg7[%dma_wait3A_73] : memref<10240xf32, #tpu.memory_space<vmem_shared>> -> memref<10240xf32, #tpu.memory_space<vmem_shared>>
        tpu.wait_indirect_dma semaphore(%run_scoped3A_66 : memref<!tpu.dma_semaphore, #tpu.memory_space<semaphore_mem>>) src(%arg5 : memref<128xf32, #tpu.memory_space<vmem>>) dst(%dma_wait3A_74 : memref<10240xf32, #tpu.memory_space<vmem_shared>>)
        tpu.yield
      }) : () -> ()
    }
    %scan3A_57 = arith.constant 80 : i32
    %barrier3A_58 = arith.constant 0 : index
    tpu.barrier barrier_id(%barrier3A_58)
    %mul3A_59 = arith.constant 640 : i32
    %mul3A_60 = arith.muli %arg1, %mul3A_59 : i32
    "tpu.region"() ({
      %run_scoped3A_61 = tpu.sem_alloc : memref<!tpu.dma_semaphore, #tpu.memory_space<semaphore_mem>>
      %dma_start3A = tpu.memref_slice %arg7[%mul3A_60] : memref<10240xf32, #tpu.memory_space<vmem_shared>> -> memref<640xf32, #tpu.memory_space<vmem_shared>>
      %dma_start3A_62 = tpu.memref_slice %arg7[%mul3A_60] : memref<10240xf32, #tpu.memory_space<vmem_shared>> -> memref<640xf32, #tpu.memory_space<vmem_shared>>
      tpu.enqueue_dma source(%dma_start3A_62 : memref<640xf32, #tpu.memory_space<vmem_shared>>) target(%arg6 : memref<640xf32, #tpu.memory_space<vmem>>) target_semaphore(%run_scoped3A_61 : memref<!tpu.dma_semaphore, #tpu.memory_space<semaphore_mem>>)
      %dma_wait3A = tpu.memref_slice %arg7[%mul3A_60] : memref<10240xf32, #tpu.memory_space<vmem_shared>> -> memref<640xf32, #tpu.memory_space<vmem_shared>>
      %dma_wait3A_63 = tpu.memref_slice %arg7[%mul3A_60] : memref<10240xf32, #tpu.memory_space<vmem_shared>> -> memref<640xf32, #tpu.memory_space<vmem_shared>>
      tpu.wait_dma2 semaphore(%run_scoped3A_61 : memref<!tpu.dma_semaphore, #tpu.memory_space<semaphore_mem>>) src(%dma_wait3A_63 : memref<640xf32, #tpu.memory_space<vmem_shared>>) dst(%arg6 : memref<640xf32, #tpu.memory_space<vmem>>)
      tpu.yield
    }) : () -> ()
    "tpu.region"() ({
      %run_scoped3A_61 = tpu.sem_alloc : memref<!tpu.dma_semaphore, #tpu.memory_space<semaphore_mem>>
      %dma_start3A = tpu.memref_slice %arg3[%arg0, %mul3A_60] : memref<2x10240xf32, #tpu.memory_space<hbm>> -> memref<1x640xf32, #tpu.memory_space<hbm>>
      %dma_start3A_62 = tpu.memref_squeeze %dma_start3A : memref<1x640xf32, #tpu.memory_space<hbm>> -> memref<640xf32, #tpu.memory_space<hbm>>
      %dma_start3A_63 = tpu.memref_slice %arg3[%arg0, %mul3A_60] : memref<2x10240xf32, #tpu.memory_space<hbm>> -> memref<1x640xf32, #tpu.memory_space<hbm>>
      %dma_start3A_64 = tpu.memref_squeeze %dma_start3A_63 : memref<1x640xf32, #tpu.memory_space<hbm>> -> memref<640xf32, #tpu.memory_space<hbm>>
      tpu.enqueue_dma source(%arg6 : memref<640xf32, #tpu.memory_space<vmem>>) target(%dma_start3A_64 : memref<640xf32, #tpu.memory_space<hbm>>) target_semaphore(%run_scoped3A_61 : memref<!tpu.dma_semaphore, #tpu.memory_space<semaphore_mem>>)
      %dma_wait3A = tpu.memref_slice %arg3[%arg0, %mul3A_60] : memref<2x10240xf32, #tpu.memory_space<hbm>> -> memref<1x640xf32, #tpu.memory_space<hbm>>
      %dma_wait3A_65 = tpu.memref_squeeze %dma_wait3A : memref<1x640xf32, #tpu.memory_space<hbm>> -> memref<640xf32, #tpu.memory_space<hbm>>
      %dma_wait3A_66 = tpu.memref_slice %arg3[%arg0, %mul3A_60] : memref<2x10240xf32, #tpu.memory_space<hbm>> -> memref<1x640xf32, #tpu.memory_space<hbm>>
      %dma_wait3A_67 = tpu.memref_squeeze %dma_wait3A_66 : memref<1x640xf32, #tpu.memory_space<hbm>> -> memref<640xf32, #tpu.memory_space<hbm>>
      tpu.wait_dma2 semaphore(%run_scoped3A_61 : memref<!tpu.dma_semaphore, #tpu.memory_space<semaphore_mem>>) src(%arg6 : memref<640xf32, #tpu.memory_space<vmem>>) dst(%dma_wait3A_67 : memref<640xf32, #tpu.memory_space<hbm>>)
      tpu.yield
    }) : () -> ()
    return
  }
}

module attributes {stable_mosaic.version = 14 : i64} {
  func.func @_scale_body(%arg0: memref<10000x128xf32, #tpu.memory_space<vmem>>, %arg1: memref<128x128xf32, #tpu.memory_space<vmem>>, %arg2: memref<2x10240xf32, #tpu.memory_space<vmem>>, %arg3: memref<10240x128xf32, #tpu.memory_space<vmem>>) attributes {dimension_semantics = [], scalar_prefetch = 0 : i64, scratch_operands = 0 : i64, tpu.core_type = #tpu.core_type<tc>} {
    %get3A = arith.constant 0 : index
    %get3A_0 = arith.constant 0 : index
    %get3A_1 = vector.load %arg2[%get3A, %get3A_0] : memref<2x10240xf32, #tpu.memory_space<vmem>>, vector<1x10240xf32>
    %get3A_2 = vector.shape_cast %get3A_1 : vector<1x10240xf32> to vector<10240xf32>
    %get3A_3 = arith.constant 1 : index
    %get3A_4 = arith.constant 0 : index
    %get3A_5 = vector.load %arg2[%get3A_3, %get3A_4] : memref<2x10240xf32, #tpu.memory_space<vmem>>, vector<1x10240xf32>
    %get3A_6 = vector.shape_cast %get3A_5 : vector<1x10240xf32> to vector<10240xf32>
    %add3A = arith.addf %get3A_2, %get3A_6 : vector<10240xf32>
    %slice3A = vector.extract_strided_slice %add3A {offsets = [0], sizes = [10000], strides = [1]} : vector<10240xf32> to vector<10000xf32>
    %broadcast_in_dim3A = vector.shape_cast %slice3A : vector<10000xf32> to vector<10000x1xf32>
    %add3A_7 = arith.constant 1.000000e+00 : f32
    %add3A_8 = vector.broadcast %add3A_7 : f32 to vector<10000x1xf32>
    %add3A_9 = arith.addf %broadcast_in_dim3A, %add3A_8 : vector<10000x1xf32>
    %rsqrt3A = math.rsqrt %add3A_9 : vector<10000x1xf32>
    %get3A_10 = arith.constant 0 : index
    %get3A_11 = arith.constant 0 : index
    %get3A_12 = vector.load %arg0[%get3A_10, %get3A_11] : memref<10000x128xf32, #tpu.memory_space<vmem>>, vector<10000x128xf32>
    %get3A_13 = arith.constant 0 : index
    %get3A_14 = arith.constant 0 : index
    %get3A_15 = vector.load %arg1[%get3A_13, %get3A_14] : memref<128x128xf32, #tpu.memory_space<vmem>>, vector<128x128xf32>
    %dot_general3A = arith.constant dense<0.000000e+00> : vector<10000x128xf32>
    %dot_general3A_16 = tpu.matmul %get3A_12, %get3A_15, %dot_general3A {dimension_numbers = #tpu.dot_dimension_numbers<[1], [0], [0], [1], [0, 0, 1, 1], [], []>, transpose_lhs_hint = false} : vector<10000x128xf32>, vector<128x128xf32>, vector<10000x128xf32> -> vector<10000x128xf32>
    %mul3A = vector.broadcast %rsqrt3A : vector<10000x1xf32> to vector<10000x128xf32>
    %mul3A_17 = arith.mulf %dot_general3A_16, %mul3A : vector<10000x128xf32>
    %swap3A = arith.constant 0 : index
    %swap3A_18 = arith.constant 0 : index
    %swap3A_19 = vector.load %arg3[%swap3A, %swap3A_18] : memref<10240x128xf32, #tpu.memory_space<vmem>>, vector<10000x128xf32>
    tpu.vector_store %arg3[%swap3A, %swap3A_18], %mul3A_17 {strides = array<i32>} : memref<10240x128xf32, #tpu.memory_space<vmem>>, vector<10000x128xf32>,
    %broadcast_in_dim3A_20 = arith.constant 0.000000e+00 : f32
    %broadcast_in_dim3A_21 = vector.broadcast %broadcast_in_dim3A_20 : f32 to vector<240x128xf32>
    %swap3A_22 = arith.constant 10000 : index
    %swap3A_23 = arith.constant 0 : index
    %swap3A_24 = vector.load %arg3[%swap3A_22, %swap3A_23] : memref<10240x128xf32, #tpu.memory_space<vmem>>, vector<240x128xf32>
    tpu.vector_store %arg3[%swap3A_22, %swap3A_23], %broadcast_in_dim3A_21 {strides = array<i32>} : memref<10240x128xf32, #tpu.memory_space<vmem>>, vector<240x128xf32>,
    return
  }
}

module attributes {stable_mosaic.version = 14 : i64} {
  func.func @_epilogue_body(%arg0: memref<2x10240x128xf32, #tpu.memory_space<vmem>>, %arg1: memref<10240x128xf32, #tpu.memory_space<vmem>>, %arg2: memref<2x10240xf32, #tpu.memory_space<vmem>>, %arg3: memref<1x128xf32, #tpu.memory_space<vmem>>, %arg4: memref<1x128xf32, #tpu.memory_space<vmem>>, %arg5: memref<1x128xf32, #tpu.memory_space<vmem>>, %arg6: memref<10000x128xf32, #tpu.memory_space<vmem>>) attributes {dimension_semantics = [], scalar_prefetch = 0 : i64, scratch_operands = 0 : i64, tpu.core_type = #tpu.core_type<tc>} {
    %get3A = arith.constant 0 : index
    %get3A_0 = arith.constant 0 : index
    %get3A_1 = vector.load %arg2[%get3A, %get3A_0] : memref<2x10240xf32, #tpu.memory_space<vmem>>, vector<1x10240xf32>
    %get3A_2 = vector.shape_cast %get3A_1 : vector<1x10240xf32> to vector<10240xf32>
    %get3A_3 = arith.constant 1 : index
    %get3A_4 = arith.constant 0 : index
    %get3A_5 = vector.load %arg2[%get3A_3, %get3A_4] : memref<2x10240xf32, #tpu.memory_space<vmem>>, vector<1x10240xf32>
    %get3A_6 = vector.shape_cast %get3A_5 : vector<1x10240xf32> to vector<10240xf32>
    %add3A = arith.addf %get3A_2, %get3A_6 : vector<10240xf32>
    %slice3A = vector.extract_strided_slice %add3A {offsets = [0], sizes = [10000], strides = [1]} : vector<10240xf32> to vector<10000xf32>
    %broadcast_in_dim3A = vector.shape_cast %slice3A : vector<10000xf32> to vector<10000x1xf32>
    %add3A_7 = arith.constant 1.000000e+00 : f32
    %add3A_8 = vector.broadcast %add3A_7 : f32 to vector<10000x1xf32>
    %add3A_9 = arith.addf %broadcast_in_dim3A, %add3A_8 : vector<10000x1xf32>
    %rsqrt3A = math.rsqrt %add3A_9 : vector<10000x1xf32>
    %get3A_10 = arith.constant 0 : index
    %get3A_11 = arith.constant 0 : index
    %get3A_12 = arith.constant 0 : index
    %get3A_13 = vector.load %arg0[%get3A_10, %get3A_11, %get3A_12] : memref<2x10240x128xf32, #tpu.memory_space<vmem>>, vector<1x10240x128xf32>
    %get3A_14 = vector.shape_cast %get3A_13 : vector<1x10240x128xf32> to vector<10240x128xf32>
    %slice3A_15 = vector.extract_strided_slice %get3A_14 {offsets = [0, 0], sizes = [10000, 128], strides = [1, 1]} : vector<10240x128xf32> to vector<10000x128xf32>
    %get3A_16 = arith.constant 1 : index
    %get3A_17 = arith.constant 0 : index
    %get3A_18 = arith.constant 0 : index
    %get3A_19 = vector.load %arg0[%get3A_16, %get3A_17, %get3A_18] : memref<2x10240x128xf32, #tpu.memory_space<vmem>>, vector<1x10240x128xf32>
    %get3A_20 = vector.shape_cast %get3A_19 : vector<1x10240x128xf32> to vector<10240x128xf32>
    %slice3A_21 = vector.extract_strided_slice %get3A_20 {offsets = [0, 0], sizes = [10000, 128], strides = [1, 1]} : vector<10240x128xf32> to vector<10000x128xf32>
    %add3A_22 = arith.addf %slice3A_15, %slice3A_21 : vector<10000x128xf32>
    %get3A_23 = arith.constant 0 : index
    %get3A_24 = arith.constant 0 : index
    %get3A_25 = vector.load %arg1[%get3A_23, %get3A_24] : memref<10240x128xf32, #tpu.memory_space<vmem>>, vector<10000x128xf32>
    %add3A_26 = arith.addf %add3A_22, %get3A_25 : vector<10000x128xf32>
    %div3A = arith.divf %rsqrt3A, %add3A_9 : vector<10000x1xf32>
    %mul3A = vector.broadcast %div3A : vector<10000x1xf32> to vector<10000x128xf32>
    %mul3A_27 = arith.mulf %add3A_26, %mul3A : vector<10000x128xf32>
    %get3A_28 = arith.constant 0 : index
    %get3A_29 = arith.constant 0 : index
    %get3A_30 = vector.load %arg3[%get3A_28, %get3A_29] : memref<1x128xf32, #tpu.memory_space<vmem>>, vector<1x128xf32>
    %add3A_31 = vector.broadcast %get3A_30 : vector<1x128xf32> to vector<10000x128xf32>
    %add3A_32 = arith.addf %mul3A_27, %add3A_31 : vector<10000x128xf32>
    %ge3A = arith.constant 0.000000e+00 : f32
    %ge3A_33 = vector.broadcast %ge3A : f32 to vector<10000x128xf32>
    %ge3A_34 = arith.cmpf oge, %add3A_32, %ge3A_33 : vector<10000x128xf32>
    %mul3A_35 = arith.constant 0.00999999977 : f32
    %mul3A_36 = vector.broadcast %mul3A_35 : f32 to vector<10000x128xf32>
    %mul3A_37 = arith.mulf %mul3A_36, %add3A_32 : vector<10000x128xf32>
    %select_n3A = arith.select %ge3A_34, %add3A_32, %mul3A_37 : vector<10000x128xi1>, vector<10000x128xf32>
    %reduce_sum3A = arith.constant dense<0.000000e+00> : vector<128xf32>
    %reduce_sum3A_38 = vector.multi_reduction <add>, %select_n3A, %reduce_sum3A [0] : vector<10000x128xf32> to vector<128xf32>
    %broadcast_in_dim3A_39 = vector.shape_cast %reduce_sum3A_38 : vector<128xf32> to vector<1x128xf32>
    %mul3A_40 = arith.constant 9.99999974E-5 : f32
    %mul3A_41 = vector.broadcast %mul3A_40 : f32 to vector<1x128xf32>
    %mul3A_42 = arith.mulf %broadcast_in_dim3A_39, %mul3A_41 : vector<1x128xf32>
    %sub3A = vector.broadcast %mul3A_42 : vector<1x128xf32> to vector<10000x128xf32>
    %sub3A_43 = arith.subf %select_n3A, %sub3A : vector<10000x128xf32>
    %mul3A_44 = arith.mulf %sub3A_43, %sub3A_43 : vector<10000x128xf32>
    %reduce_sum3A_45 = arith.constant dense<0.000000e+00> : vector<128xf32>
    %reduce_sum3A_46 = vector.multi_reduction <add>, %mul3A_44, %reduce_sum3A_45 [0] : vector<10000x128xf32> to vector<128xf32>
    %broadcast_in_dim3A_47 = vector.shape_cast %reduce_sum3A_46 : vector<128xf32> to vector<1x128xf32>
    %mul3A_48 = arith.constant 9.99999974E-5 : f32
    %mul3A_49 = vector.broadcast %mul3A_48 : f32 to vector<1x128xf32>
    %mul3A_50 = arith.mulf %broadcast_in_dim3A_47, %mul3A_49 : vector<1x128xf32>
    %add3A_51 = arith.constant 9.99999974E-6 : f32
    %add3A_52 = vector.broadcast %add3A_51 : f32 to vector<1x128xf32>
    %add3A_53 = arith.addf %mul3A_50, %add3A_52 : vector<1x128xf32>
    %rsqrt3A_54 = math.rsqrt %add3A_53 : vector<1x128xf32>
    %mul3A_55 = vector.broadcast %rsqrt3A_54 : vector<1x128xf32> to vector<10000x128xf32>
    %mul3A_56 = arith.mulf %sub3A_43, %mul3A_55 : vector<10000x128xf32>
    %get3A_57 = arith.constant 0 : index
    %get3A_58 = arith.constant 0 : index
    %get3A_59 = vector.load %arg4[%get3A_57, %get3A_58] : memref<1x128xf32, #tpu.memory_space<vmem>>, vector<1x128xf32>
    %mul3A_60 = vector.broadcast %get3A_59 : vector<1x128xf32> to vector<10000x128xf32>
    %mul3A_61 = arith.mulf %mul3A_56, %mul3A_60 : vector<10000x128xf32>
    %get3A_62 = arith.constant 0 : index
    %get3A_63 = arith.constant 0 : index
    %get3A_64 = vector.load %arg5[%get3A_62, %get3A_63] : memref<1x128xf32, #tpu.memory_space<vmem>>, vector<1x128xf32>
    %add3A_65 = vector.broadcast %get3A_64 : vector<1x128xf32> to vector<10000x128xf32>
    %add3A_66 = arith.addf %mul3A_61, %add3A_65 : vector<10000x128xf32>
    %swap3A = arith.constant 0 : index
    %swap3A_67 = arith.constant 0 : index
    %swap3A_68 = vector.load %arg6[%swap3A, %swap3A_67] : memref<10000x128xf32, #tpu.memory_space<vmem>>, vector<10000x128xf32>
    tpu.vector_store %arg6[%swap3A, %swap3A_67], %add3A_66 {strides = array<i32>} : memref<10000x128xf32, #tpu.memory_space<vmem>>, vector<10000x128xf32>,
    return
  }
}

</mosaic_0001>

<sc_bundles>
// kernel: kernel.6.cloned.1.call-start
scs
__scs_entry_jumppad:
0x0: {  	(pc) =	sbr.rel $0x88, $3  }
0x1: {  	(tag) =	ssettag $0x0;
	lr =	simm.s32 $0x1  }
0x2: {  	[smem:$0x3F9B] =	sst lr;
	_ =	strace $0xD0000000  }
0x3: {  	_ = 	snop  }
0x4: {  	_ = 	snop  }
0x5: {  	_ = 	snop  }
0x6: {  	_ = 	snop  }
0x7: {  	_ = 	snop  }
__scs_overlays_trampoline_lowered:
0x8: {  	[smem:$0x3FAA] =	sst s0  }
0x9: {  	[smem:$0x3FAB] =	sst s1  }
0xa: {  	[smem:$0x3FAC] =	sst s2  }
0xb: {  	[smem:$0x3FAD] =	sst s3  }
0xc: {  	[smem:$0x3FAE] =	sst s4  }
0xd: {  	[smem:$0x3FAF] =	sst s5  }
0xe: {  	[smem:$0x3FB0] =	sst s6  }
0xf: {  	[smem:$0x3FB1] =	sst s7  }
0x10: {  	[smem:$0x3FB2] =	sst s8  }
0x11: {  	[smem:$0x3FB3] =	sst s9;
	s0 =	simm.s32 @!p0 $0x0  }
0x12: {  	s1 =	sld [smem:$0x3F99];
	s0 =	simm.s32 @p0 $0x1  }
0x13: {  	[smem:$0x3FB4] =	sst s0;
	s0 =	simm.s32 @!p1 $0x0  }
0x14: {  	s2 =	sld [smem:$0x3F98];
	s0 =	simm.s32 @p1 $0x1  }
0x15: {  	[smem:$0x3FB5] =	sst s0;
	s0 =	simm.s32 @!p2 $0x0  }
0x16: {  	s3 =	sld [smem:$0x3FDB];
	s0 =	simm.s32 @p2 $0x1  }
0x17: {  	s4 =	simm.s32 $0x1BF5;
	[smem:$0x3FB7] =	sst s0  }
0x18: {  	s0 =	sld [smem:$0x3F9A];
	_ =	swait.ge [sflag:s4], $0x0  }
0x19: {  	s7 =	sld [smem:$0x3F9B]  }
0x1a: {  	s8 =	sadd.s32 $0xFFFFE003, lr  }
0x1b: {  	s9 =	sadd.s32 $0xFFFFFEF7, lr;
	s5 =	simm.s32 $0xFFFFFFFF;
	p2 =	slt.u32 s8, $0xFFFFF086  }
0x1c: {  	p1 =	slt.u32 s9, $0xF7A;
	s5 =	simm.s32 @!p2 $0x0  }
0x1d: {  	s5 =	simm.s32 @p1 $0x1;
	p0 =	seq.s32 s7, s2  }
0x1e: {  	s7 =	smul.u32 @!p0 $0xF7A, s2;
	p2 =	seq.s32 @!p0 s5, $0x0  }
0x1f: {  	s9 =	smul.u32 $0xF7A, s1;
	s8 =	simm.s32 @!p0 $0x1BF5;
	p2 =	por !p2, p0  }
0x20: {  	[sflag:s8] =	ssyncset.s32 @!p0 $0xFFFFF086;
	s6 =	sadd.s32 @!p0 s3, s7;
	s7 =	simm.s32 @!p0 $0x108  }
0x21: {  	s3 =	sadd.s32 s3, s9;
	s6 =	sadd.s32 @!p0 $0x88, s6;
	s7 =	simm.s32 @p2 $0x1082  }
0x22: {  	[simem:s7], [sflag:s8] =	dma.local @!p0 [hbm:s6], $0xF7A  }
0x23: {  	s9 =	sor.u32 $0xD0000000, s2;
	s6 =	simm.s32 $0x108;
	_ =	swait.ge @!p0 [sflag:s8], $0x0  }
0x24: {  	s3 =	sadd.s32 $0x88, s3;
	s6 =	simm.s32 @!p1 $0x1082;
	[sflag:s4] =	ssyncset.s32 $0xFFFFF086  }
0x25: {  	[simem:s6], [sflag:s4] =	dma.local [hbm:s3], $0xF7A  }
0x26: {  	[smem:$0x3F9B] =	sst s1;
	(tag) =	ssettag s2;
	_ =	strace s9  }
0x27: {  	s1 =	sld [smem:$0x3FAB]  }
0x28: {  	s2 =	sld [smem:$0x3FAC]  }
0x29: {  	s4 =	sld [smem:$0x3FAE]  }
0x2a: {  	p0 =	seq.s32 s5, $0x0;
	s5 =	sld [smem:$0x3FAF]  }
0x2b: {  	s6 =	sld [smem:$0x3FB0]  }
0x2c: {  	s7 =	sld [smem:$0x3FB1]  }
0x2d: {  	s3 =	simm.s32 $0x108;
	s8 =	sld [smem:$0x3FB2]  }
0x2e: {  	s3 =	simm.s32 @!p0 $0x1082;
	s9 =	sld [smem:$0x3FB3]  }
0x2f: {  	lr =	sadd.s32 s0, s3;
	s0 =	sld [smem:$0x3FAA]  }
0x30: {  	s3 =	sld [smem:$0x3FAD]  }
0x31: {  	[smem:$0x3FB6] =	sst s10  }
0x32: {  	s10 =	sld [smem:$0x3FB4];
	_ =	sdelay $0x3  }
0x33: {  	p0 =	seq.s32 s10, $0x1;
	s10 =	sld [smem:$0x3FB6];
	_ =	sdelay $0x3  }
0x34: {  	[smem:$0x3FB6] =	sst s10  }
0x35: {  	s10 =	sld [smem:$0x3FB5];
	_ =	sdelay $0x3  }
0x36: {  	p1 =	seq.s32 s10, $0x1;
	s10 =	sld [smem:$0x3FB6];
	_ =	sdelay $0x3  }
0x37: {  	[smem:$0x3FB6] =	sst s10  }
0x38: {  	s10 =	sld [smem:$0x3FB7]  }
0x39: {  	_ = 	snop;
	(pc) =	sbr.ind lr, $3  }
0x3a: {  	_ = 	snop  }
0x3b: {  	_ = 	snop  }
0x3c: {  	p2 =	seq.s32 s10, $0x1;
	s10 =	sld [smem:$0x3FB6]  }
0x3d: {  	_ =	shalt  }
0x3e: {  	_ =	shalt  }
0x3f: {  	_ =	shalt  }
0x40: {  	_ =	shalt  }
0x41: {  	_ =	shalt  }
0x42: {  	_ =	shalt  }
0x43: {  	_ =	shalt  }
0x44: {  	_ =	shalt  }
0x45: {  	_ =	shalt  }
0x46: {  	_ =	shalt  }
0x47: {  	_ =	shalt  }
0x48: {  	_ =	shalt  }
0x49: {  	_ =	shalt  }
0x4a: {  	_ =	shalt  }
0x4b: {  	_ =	shalt  }
0x4c: {  	_ =	shalt  }
0x4d: {  	_ =	shalt  }
0x4e: {  	_ =	shalt  }
0x4f: {  	_ =	shalt  }
0x50: {  	_ =	shalt  }
0x51: {  	_ =	shalt  }
0x52: {  	_ =	shalt  }
0x53: {  	_ =	shalt  }
0x54: {  	_ =	shalt  }
0x55: {  	_ =	shalt  }
0x56: {  	_ =	shalt  }
0x57: {  	_ =	shalt  }
0x58: {  	_ =	shalt  }
0x59: {  	_ =	shalt  }
0x5a: {  	_ =	shalt  }
0x5b: {  	_ =	shalt  }
0x5c: {  	_ =	shalt  }
0x5d: {  	_ =	shalt  }
0x5e: {  	_ =	shalt  }
0x5f: {  	_ =	shalt  }
0x60: {  	_ =	shalt  }
0x61: {  	_ =	shalt  }
0x62: {  	_ =	shalt  }
0x63: {  	_ =	shalt  }
0x64: {  	_ =	shalt  }
0x65: {  	_ =	shalt  }
0x66: {  	_ =	shalt  }
0x67: {  	_ =	shalt  }
0x68: {  	_ =	shalt  }
0x69: {  	_ =	shalt  }
0x6a: {  	_ =	shalt  }
0x6b: {  	_ =	shalt  }
0x6c: {  	_ =	shalt  }
0x6d: {  	_ =	shalt  }
0x6e: {  	_ =	shalt  }
0x6f: {  	_ =	shalt  }
0x70: {  	_ =	shalt  }
0x71: {  	_ =	shalt  }
0x72: {  	_ =	shalt  }
0x73: {  	_ =	shalt  }
0x74: {  	_ =	shalt  }
0x75: {  	_ =	shalt  }
0x76: {  	_ =	shalt  }
0x77: {  	_ =	shalt  }
0x78: {  	_ =	shalt  }
0x79: {  	_ =	shalt  }
0x7a: {  	_ =	shalt  }
0x7b: {  	_ =	shalt  }
0x7c: {  	_ =	shalt  }
0x7d: {  	_ =	shalt  }
0x7e: {  	_ =	shalt  }
0x7f: {  	_ =	shalt  }
0x80: {  	_ =	shalt  }
0x81: {  	_ =	shalt  }
0x82: {  	_ =	shalt  }
0x83: {  	_ =	shalt  }
0x84: {  	_ =	shalt  }
0x85: {  	_ =	shalt  }
0x86: {  	_ =	shalt  }
0x87: {  	_ =	shalt  }
.Lfunc_end0:
.L_simem_size_0:
called_computation_lowered:
.L_overlay_start_0:
0x88: {  	s2 =	sld [smem:$0x3FD9]  }
0x89: {  	s3 =	sld [smem:$0x3FFE];
	_ =	sdelay $0x1  }
0x8a: {  	s1 =	srdreg.scid  }
0x8b: {  	s0 =	sand.u32 $0x1, s1  }
0x8c: {  	s17 =	sshll.u32 s0, $0xA;
	s2 =	sadd.s32 s3, s2  }
0x8d: {  	s2 =	sadd.s32 s2, s17  }
0x8e: {  	[smem:$0x3FC2] =	sst s2  }
0x8f: {  	_ = 	snop  }
0x90: {  	s2 =	sld [smem:$0x3FD0];
	(tm) =	ssettm $0x1  }
0x91: {  	s18 =	sld [smem:$0x3FFB];
	_ =	sdelay $0x3  }
0x92: {  	_ =	strace s18  }
0x93: {  	s3 =	sld [smem:$0x3FFC];
	_ =	sdelay $0x3  }
0x94: {  	_ =	strace s3  }
0x95: {  	s3 =	sld [smem:$0x3FFD];
	_ =	sdelay $0x3  }
0x96: {  	_ =	strace s3  }
0x97: {  	_ =	strace $0x8FFFFFFF  }
0x98: {  	s19 =	sld [smem:$0x3FDB];
	_ =	sdelay $0x1  }
0x99: {  	s4 =	simm.s32 $_scs_section_size  }
0x9a: {  	s5 =	simm.s32 $_size__tile_overlayer_lowered;
	s6 =	simm.s32 $_tile_overlayer_lowered  }
0x9b: {  	s22 =	simm.s32 $0x1BFF;
	s21 =	sshll.u32 s6, $0x1;
	s3 =	sadd.s32 s4, s19  }
0x9c: {  	s7 =	simm.s32 $0x0;
	s20 =	sshll.u32 s5, $0x1;
	s5 =	sadd.s32 s21, s3  }
0x9d: {  	[timem:s7], [sflag:s22] =	dma.local [hbm:s5], s20  }
0x9e: {  	_ =	swait.ge [sflag:s22], s20  }
0x9f: {  	s4 =	ssub.s32 $0x0, s20;
	[sflag:s22] =	ssyncset.done $0x0  }
0xa0: {  	[sflag:s22] =	ssyncadd.s32 s4;
	_ =	sdelay $0x1  }
0xa1: {  	s23 =	simm.s32 $0x1B8B  }
0xa2: {  	_ =	swait.ge [sflag:s23], $0x1  }
0xa3: {  	[sflag:s23] =	ssyncset.done $0x0  }
0xa4: {  	s25 =	simm.s32 $0x1B8E;
	s24 =	sld [smem:$0x3FFE];
	[sflag:s23] =	ssyncadd.s32 $0xFFFFFFFF  }
0xa5: {  	s26 =	simm.s32 $execute0_lowered;
	[smem:$0x3FD2] =	sst s25  }
0xa6: {  	s5 =	sshll.u32 s26, $0x1;
	_ =	strace $0x80000046;
	[dreg:$0x1] =	wrdreg $0xFFFFFFFF  }
0xa7: {  	s28 =	simm.s32 $_size_execute0_lowered;
	s3 =	sadd.s32 s3, s5;
	[dreg:$0x0] =	wrdreg $0x0  }
0xa8: {  	s5 =	sshll.u32 s28, $0x1;
	[dreg:$0x2] =	wrdreg s3  }
0xa9: {  	[dreg:$0x3] =	wrdreg s5  }
0xaa: {  	[dreg:$0x4] =	wrdreg $0xC0  }
0xab: {  	_ =	task [dreg:s7], $0x5FFFF  }
0xac: {  	[dreg:$0x1] =	wrdreg $0xFFFFFFFF  }
0xad: {  	[dreg:$0x0] =	wrdreg $0x60  }
0xae: {  	[dreg:$0x2] =	wrdreg s2  }
0xaf: {  	[dreg:$0x3] =	wrdreg s24  }
0xb0: {  	[dreg:$0x4] =	wrdreg $0x2B000  }
0xb1: {  	[dreg:$0x5] =	wrdreg $0x9  }
0xb2: {  	_ =	task.clear_ibuf [dreg:s7], $0x6FFFF;
	_ =	strace $0x90000046  }
0xb3: {  	s29 =	simm.s32 $0x9;
	_ =	strace $0x80000048  }
0xb4: {  	_ =	swait.ge [sflag:s29], $0x1  }
0xb5: {  	[sflag:s29] =	ssyncadd.s32 $0xFFFFFFFF  }
0xb6: {  	_ =	strace $0x90000048  }
0xb7: {  	_ =	sfence  }
0xb8: {  	s30 =	sld [smem:$0x0];
	_ =	sdelay $0x2  }
0xb9: {  	s31 =	sshll.u32 s1, $0xD;
	s1 =	sshrl.u32 s1, $0x2  }
0xba: {  	s3 =	sand.u32 $0x4000, s31;
	s1 =	sadd.s32 s1, s30  }
0xbb: {  	s0 =	sor.u32 s3, s0;
	s1 =	sshll.u32 s1, $0x11  }
0xbc: {  	s0 =	sor.u32 s1, s0  }
0xbd: {  	s0 =	sadd.s32 $0x8F2B, s0  }
0xbe: {  	[sflag:s0] =	ssyncadd.remote.s32 $0x1  }
0xbf: {  	_ =	sfence.sel $0xFFFF  }
0xc0: {  	[dreg:$0x0] =	wrdreg $0xFFFFFFFF;
	(pc) =	sbr.abs _section_cstart, $3  }
0xc1: {  	[dreg:$0x1] =	wrdreg $0xFFFFFFFF  }
0xc2: {  	_ =	task.clear_ibuf [dreg:s7], $0x2FFFF;
	_ =	strace $0x9FFFFFFF  }
0xc3: {  	(tm) =	ssettm $0x7FFFFFFF  }
tec
execute0_lowered:
.L_overlay_start_1:
0x0: {  	(tag) =	ssettag $0x1  }
0x1: {  	s5 =	rddreg [dreg:$0x0]  }
0x2: {  	s4 =	rddreg [dreg:$0x1]  }
0x3: {  	s2 =	rddreg [dreg:$0x2]  }
0x4: {  	s3 =	srdreg.scid;
	s1 =	stileid.u32  }
0x5: {  	s0 =	rddreg [dreg:$0x3];
	s11 =	simm.s32 $0x2800;
	s12 =	simm.s32 $0x100  }
0x6: {  	s13 =	simm.s32 $0x0;
	s6 =	sand.u32 $0x1, s3;
	s7 =	smul.u32 $0x500, s1  }
0x7: {  	s3 =	simm.s32 $0x0;
	s30 =	smul.u32 $0xA00, s1;
	s8 =	sshll.u32 s6, $0x7  }
0x8: {  	s9 =	sshll.u32 s6, $0x4;
	[smem:$0x7FF] =	sst s3;
	s31 =	ssub.s32 $0x2, s6  }
0x9: {  	s7 =	sor.u32 s8, s7;
	s29 =	sor.u32 s1, s9;
	_ =	strace $0x80000047  }
0xa: {  	s6 =	sshrl.u32 s31, $0x1;
	s7 =	sshrl.u32 s7, $0x3;
	s8 =	smul.u32 $0x2800, s29  }
0xb: {  	s9 =	sshrl.u32 s30, $0x2;
	s10 =	ssub.s32 s31, s6;
	s7 =	sadd.s32 s7, s4  }
0xc: {  	s4 =	sadd.s32 s9, s2;
	s9 =	simm.s32 $0x1;
	s8 =	sshrl.u32 s8, $0x3  }
0xd: {  	s6 =	sadd.s32 $0x2000, s7;
	s7 =	smax.u32 s10, $0x1;
	s5 =	sadd.s32 s5, s8  }
0xe: {  	v0 =	vimm.f32 $0.0e+00;
	v1 =	vimm.f32 $1.000000000e+00;
	s10 =	simm.s32 $0x80;
	s8 =	simm.s32 $0x2880;
	s5 =	sadd.s32 $0xA000, s5  }
.LBB2_1:
0xf: {  	[tilespmem:$0x2880] =	vst v0  }
0x10: {  	[tilespmem:$0x2890] =	vst v0  }
0x11: {  	[tilespmem:$0x28A0] =	vst v0  }
0x12: {  	[tilespmem:$0x28B0] =	vst v0  }
0x13: {  	[tilespmem:$0x28C0] =	vst v0  }
0x14: {  	[tilespmem:$0x28D0] =	vst v0  }
0x15: {  	[tilespmem:$0x28E0] =	vst v0  }
0x16: {  	[tilespmem:$0x28F0] =	vst v0  }
0x17: {  	[tilespmem:$0x2900] =	vst v0  }
0x18: {  	[tilespmem:$0x2910] =	vst v0  }
0x19: {  	[tilespmem:$0x2920] =	vst v0  }
0x1a: {  	[tilespmem:$0x2930] =	vst v0  }
0x1b: {  	[tilespmem:$0x2940] =	vst v0  }
0x1c: {  	[tilespmem:$0x2950] =	vst v0  }
0x1d: {  	[tilespmem:$0x2960] =	vst v0  }
0x1e: {  	[tilespmem:$0x2970] =	vst v0  }
0x1f: {  	[tilespmem:$0x2980] =	vst v0  }
0x20: {  	[tilespmem:$0x2990] =	vst v0  }
0x21: {  	[tilespmem:$0x29A0] =	vst v0  }
0x22: {  	[tilespmem:$0x29B0] =	vst v0  }
0x23: {  	[tilespmem:$0x29C0] =	vst v0  }
0x24: {  	[tilespmem:$0x29D0] =	vst v0  }
0x25: {  	[tilespmem:$0x29E0] =	vst v0  }
0x26: {  	[tilespmem:$0x29F0] =	vst v0  }
0x27: {  	[tilespmem:$0x2A00] =	vst v0  }
0x28: {  	[tilespmem:$0x2A10] =	vst v0  }
0x29: {  	[tilespmem:$0x2A20] =	vst v0  }
0x2a: {  	[tilespmem:$0x2A30] =	vst v0  }
0x2b: {  	[tilespmem:$0x2A40] =	vst v0  }
0x2c: {  	[tilespmem:$0x2A50] =	vst v0  }
0x2d: {  	[tilespmem:$0x2A60] =	vst v0  }
0x2e: {  	[tilespmem:$0x2A70] =	vst v0  }
0x2f: {  	[tilespmem:$0x2A80] =	vst v0  }
0x30: {  	[tilespmem:$0x2A90] =	vst v0  }
0x31: {  	[tilespmem:$0x2AA0] =	vst v0  }
0x32: {  	[tilespmem:$0x2AB0] =	vst v0  }
0x33: {  	[tilespmem:$0x2AC0] =	vst v0  }
0x34: {  	[tilespmem:$0x2AD0] =	vst v0  }
0x35: {  	[tilespmem:$0x2AE0] =	vst v0  }
0x36: {  	[tilespmem:$0x2AF0] =	vst v0  }
0x37: {  	[tilespmem:$0x2800] =	vst v1  }
0x38: {  	[tilespmem:$0x2810] =	vst v1  }
0x39: {  	[tilespmem:$0x2820] =	vst v1  }
0x3a: {  	[tilespmem:$0x2830] =	vst v1  }
0x3b: {  	[tilespmem:$0x2840] =	vst v1  }
0x3c: {  	[tilespmem:$0x2850] =	vst v1  }
0x3d: {  	[tilespmem:$0x2860] =	vst v1  }
0x3e: {  	[tilespmem:$0x2870] =	vst v1  }
0x3f: {  	[spmem:s4] =	stream.linear.scatter [tilespmem:s8], [sflag:$0x1], $0x280, $0x38;
	[tilespmem:$0x2D80] =	vst v63  }
0x40: {  	_ =	swait.ge [sflag:s9], $0x280  }
0x41: {  	[sflag:s9] =	ssyncset.done $0x0  }
0x42: {  	[sflag:s9] =	ssyncadd.s32 $0xFFFFFD80  }
0x43: {  	[tilespmem:s3], [sflag:$0x1] =	stream.linear.gather [hbm4b:s5+s3], $0x2800, $0x38;
	[tilespmem:$0x2D80] =	vst v63  }
0x44: {  	_ =	swait.ge [sflag:s9], $0x2800  }
0x45: {  	[sflag:s9] =	ssyncset.done $0x0  }
0x46: {  	[sflag:s9] =	ssyncadd.s32 $0xFFFFD800  }
0x47: {  	s14 =	simm.s32 $0x0;
	[bflag:$0x0] =	sbarrier.arrive $0xFFFF  }
0x48: {  	[spmem:s2] =	stream.indirect.scatter.add.f32 [tilespmem:s11], [sflag:$0x1], $0x1, s14, s10, $0xb8;
	[tilespmem:$0x2D80] =	vst v63  }
0x49: {  	_ =	swait.ge [sflag:s9], $0x80  }
0x4a: {  	s14 =	simm.s32 $0x200;
	[sflag:s9] =	ssyncset.done $0x0  }
.LBB2_2:
0x4b: {  	s15 =	sshra.s32 s14, $0x2;
	[sflag:s9] =	ssyncadd.s32 $0xFFFFFF80;
	p0 =	sne.s32 s14, $0x9E00  }
0x4c: {  	[spmem:s2] =	stream.indirect.scatter.add.f32 [tilespmem:s11], [sflag:$0x1], $0x1, s15, s10, $0xb8;
	[tilespmem:$0x2D80] =	vst v63  }
.Ltmp0:
0x4d: {  	_ = 	snop;
	(pc) =	sbr.rel @p0 .LBB2_2-.Ltmp0, $4  }
0x4e: {  	_ = 	snop  }
0x4f: {  	s14 =	sadd.s32 $0x200, s14  }
0x50: {  	_ =	swait.ge [sflag:s9], $0x80  }
0x51: {  	[sflag:s9] =	ssyncset.done $0x0  }
0x52: {  	[sflag:s9] =	ssyncadd.s32 $0xFFFFFF80  }
0x53: {  	[bflag:$0x0] =	sbarrier.arrive $0xFFFF  }
0x54: {  	[tilespmem:s8], [sflag:$0x1] =	stream.linear.gather [spmem:s4], $0x280, $0x38;
	[tilespmem:$0x2D80] =	vst v63  }
0x55: {  	s13 =	sadd.s32 $0x1, s13;
	_ =	swait.ge [sflag:s9], $0x280  }
0x56: {  	p0 =	sne.s32 s13, s7;
	[sflag:s9] =	ssyncset.done $0x0  }
.Ltmp1:
0x57: {  	[sflag:s9] =	ssyncadd.s32 $0xFFFFFD80;
	(pc) =	sbr.rel @p0 .LBB2_1-.Ltmp1, $4  }
0x58: {  	[hbm4b:s6+s10] =	stream.strided.scatter [tilespmem:s8], [sflag:$0x1], $0x280, s12, s10, $0x38;
	[tilespmem:$0x2D80] =	vst v63  }
0x59: {  	_ =	swait.ge [sflag:s9], $0x280  }
0x5a: {  	[sflag:s9] =	ssyncset.done $0x0  }
0x5b: {  	[sflag:s9] =	ssyncadd.s32 $0xFFFFFD80  }
0x5c: {  	_ =	sfence.sel $0x180000  }
0x5d: {  	[bflag:$0x0] =	sbarrier.arrive $0xFFFF  }
0x5e: {  	p0 =	sne.s32 s1, $0x0;
	_ =	strace $0x90000047  }
0x5f: {  	s0 =	sadd.s32 @!p0 $0x100000, s0;
	[bflag:$0x2] =	sbarrier.arrive $0xFFFF  }
0x60: {  	[sflag:s0] =	ssyncadd.tile.s32 @!p0 $0x1;
	_ =	shalt  }
.Lfunc_end2:
_tile_overlayer_lowered:
.L_overlay_start_2:
0x61: {  	(tag) =	ssettag $0x2  }
0x62: {  	s0 =	rddreg [dreg:$0x0];
	s2 =	stileid.u32  }
0x63: {  	s1 =	rddreg [dreg:$0x1];
	p0 =	sne.s32 s2, $0x0  }
0x64: {  	s3 =	rddreg [dreg:$0x2];
	[bflag:$0x3] =	sbarrier.arrive $0xFFFF;
	s2 =	simm.s32 @!p0 $0x1C01  }
0x65: {  	[timem:s3], [sflag:s2] =	dma.local @!p0 [hbm:s0], s1  }
0x66: {  	s0 =	simm.s32 @!p0 $0x1  }
0x67: {  	_ =	swait.ge @!p0 [sflag:s0], s1  }
0x68: {  	s1 =	ssub.s32 @!p0 $0x0, s1;
	[sflag:s0] =	ssyncset.done @!p0 $0x0  }
0x69: {  	[sflag:s0] =	ssyncadd.s32 @!p0 s1  }
0x6a: {  	[bflag:$0x3] =	sbarrier.arrive $0xFFFF  }
0x6b: {  	_ =	shalt  }

// kernel: kernel.9.cloned.1.call-start
scs
__scs_entry_jumppad:
0x0: {  	(pc) =	sbr.rel $0x88, $3  }
0x1: {  	(tag) =	ssettag $0x0;
	lr =	simm.s32 $0x1  }
0x2: {  	[smem:$0x3F9B] =	sst lr;
	_ =	strace $0xD0000000  }
0x3: {  	_ = 	snop  }
0x4: {  	_ = 	snop  }
0x5: {  	_ = 	snop  }
0x6: {  	_ = 	snop  }
0x7: {  	_ = 	snop  }
__scs_overlays_trampoline_lowered:
0x8: {  	[smem:$0x3FAA] =	sst s0  }
0x9: {  	[smem:$0x3FAB] =	sst s1  }
0xa: {  	[smem:$0x3FAC] =	sst s2  }
0xb: {  	[smem:$0x3FAD] =	sst s3  }
0xc: {  	[smem:$0x3FAE] =	sst s4  }
0xd: {  	[smem:$0x3FAF] =	sst s5  }
0xe: {  	[smem:$0x3FB0] =	sst s6  }
0xf: {  	[smem:$0x3FB1] =	sst s7  }
0x10: {  	[smem:$0x3FB2] =	sst s8  }
0x11: {  	[smem:$0x3FB3] =	sst s9;
	s0 =	simm.s32 @!p0 $0x0  }
0x12: {  	s1 =	sld [smem:$0x3F99];
	s0 =	simm.s32 @p0 $0x1  }
0x13: {  	[smem:$0x3FB4] =	sst s0;
	s0 =	simm.s32 @!p1 $0x0  }
0x14: {  	s2 =	sld [smem:$0x3F98];
	s0 =	simm.s32 @p1 $0x1  }
0x15: {  	[smem:$0x3FB5] =	sst s0;
	s0 =	simm.s32 @!p2 $0x0  }
0x16: {  	s3 =	sld [smem:$0x3FDB];
	s0 =	simm.s32 @p2 $0x1  }
0x17: {  	s4 =	simm.s32 $0x1BF5;
	[smem:$0x3FB7] =	sst s0  }
0x18: {  	s0 =	sld [smem:$0x3F9A];
	_ =	swait.ge [sflag:s4], $0x0  }
0x19: {  	s7 =	sld [smem:$0x3F9B]  }
0x1a: {  	s8 =	sadd.s32 $0xFFFFE003, lr  }
0x1b: {  	s9 =	sadd.s32 $0xFFFFFEF7, lr;
	s5 =	simm.s32 $0xFFFFFFFF;
	p2 =	slt.u32 s8, $0xFFFFF086  }
0x1c: {  	p1 =	slt.u32 s9, $0xF7A;
	s5 =	simm.s32 @!p2 $0x0  }
0x1d: {  	s5 =	simm.s32 @p1 $0x1;
	p0 =	seq.s32 s7, s2  }
0x1e: {  	s7 =	smul.u32 @!p0 $0xF7A, s2;
	p2 =	seq.s32 @!p0 s5, $0x0  }
0x1f: {  	s9 =	smul.u32 $0xF7A, s1;
	s8 =	simm.s32 @!p0 $0x1BF5;
	p2 =	por !p2, p0  }
0x20: {  	[sflag:s8] =	ssyncset.s32 @!p0 $0xFFFFF086;
	s6 =	sadd.s32 @!p0 s3, s7;
	s7 =	simm.s32 @!p0 $0x108  }
0x21: {  	s3 =	sadd.s32 s3, s9;
	s6 =	sadd.s32 @!p0 $0x88, s6;
	s7 =	simm.s32 @p2 $0x1082  }
0x22: {  	[simem:s7], [sflag:s8] =	dma.local @!p0 [hbm:s6], $0xF7A  }
0x23: {  	s9 =	sor.u32 $0xD0000000, s2;
	s6 =	simm.s32 $0x108;
	_ =	swait.ge @!p0 [sflag:s8], $0x0  }
0x24: {  	s3 =	sadd.s32 $0x88, s3;
	s6 =	simm.s32 @!p1 $0x1082;
	[sflag:s4] =	ssyncset.s32 $0xFFFFF086  }
0x25: {  	[simem:s6], [sflag:s4] =	dma.local [hbm:s3], $0xF7A  }
0x26: {  	[smem:$0x3F9B] =	sst s1;
	(tag) =	ssettag s2;
	_ =	strace s9  }
0x27: {  	s1 =	sld [smem:$0x3FAB]  }
0x28: {  	s2 =	sld [smem:$0x3FAC]  }
0x29: {  	s4 =	sld [smem:$0x3FAE]  }
0x2a: {  	p0 =	seq.s32 s5, $0x0;
	s5 =	sld [smem:$0x3FAF]  }
0x2b: {  	s6 =	sld [smem:$0x3FB0]  }
0x2c: {  	s7 =	sld [smem:$0x3FB1]  }
0x2d: {  	s3 =	simm.s32 $0x108;
	s8 =	sld [smem:$0x3FB2]  }
0x2e: {  	s3 =	simm.s32 @!p0 $0x1082;
	s9 =	sld [smem:$0x3FB3]  }
0x2f: {  	lr =	sadd.s32 s0, s3;
	s0 =	sld [smem:$0x3FAA]  }
0x30: {  	s3 =	sld [smem:$0x3FAD]  }
0x31: {  	[smem:$0x3FB6] =	sst s10  }
0x32: {  	s10 =	sld [smem:$0x3FB4];
	_ =	sdelay $0x3  }
0x33: {  	p0 =	seq.s32 s10, $0x1;
	s10 =	sld [smem:$0x3FB6];
	_ =	sdelay $0x3  }
0x34: {  	[smem:$0x3FB6] =	sst s10  }
0x35: {  	s10 =	sld [smem:$0x3FB5];
	_ =	sdelay $0x3  }
0x36: {  	p1 =	seq.s32 s10, $0x1;
	s10 =	sld [smem:$0x3FB6];
	_ =	sdelay $0x3  }
0x37: {  	[smem:$0x3FB6] =	sst s10  }
0x38: {  	s10 =	sld [smem:$0x3FB7]  }
0x39: {  	_ = 	snop;
	(pc) =	sbr.ind lr, $3  }
0x3a: {  	_ = 	snop  }
0x3b: {  	_ = 	snop  }
0x3c: {  	p2 =	seq.s32 s10, $0x1;
	s10 =	sld [smem:$0x3FB6]  }
0x3d: {  	_ =	shalt  }
0x3e: {  	_ =	shalt  }
0x3f: {  	_ =	shalt  }
0x40: {  	_ =	shalt  }
0x41: {  	_ =	shalt  }
0x42: {  	_ =	shalt  }
0x43: {  	_ =	shalt  }
0x44: {  	_ =	shalt  }
0x45: {  	_ =	shalt  }
0x46: {  	_ =	shalt  }
0x47: {  	_ =	shalt  }
0x48: {  	_ =	shalt  }
0x49: {  	_ =	shalt  }
0x4a: {  	_ =	shalt  }
0x4b: {  	_ =	shalt  }
0x4c: {  	_ =	shalt  }
0x4d: {  	_ =	shalt  }
0x4e: {  	_ =	shalt  }
0x4f: {  	_ =	shalt  }
0x50: {  	_ =	shalt  }
0x51: {  	_ =	shalt  }
0x52: {  	_ =	shalt  }
0x53: {  	_ =	shalt  }
0x54: {  	_ =	shalt  }
0x55: {  	_ =	shalt  }
0x56: {  	_ =	shalt  }
0x57: {  	_ =	shalt  }
0x58: {  	_ =	shalt  }
0x59: {  	_ =	shalt  }
0x5a: {  	_ =	shalt  }
0x5b: {  	_ =	shalt  }
0x5c: {  	_ =	shalt  }
0x5d: {  	_ =	shalt  }
0x5e: {  	_ =	shalt  }
0x5f: {  	_ =	shalt  }
0x60: {  	_ =	shalt  }
0x61: {  	_ =	shalt  }
0x62: {  	_ =	shalt  }
0x63: {  	_ =	shalt  }
0x64: {  	_ =	shalt  }
0x65: {  	_ =	shalt  }
0x66: {  	_ =	shalt  }
0x67: {  	_ =	shalt  }
0x68: {  	_ =	shalt  }
0x69: {  	_ =	shalt  }
0x6a: {  	_ =	shalt  }
0x6b: {  	_ =	shalt  }
0x6c: {  	_ =	shalt  }
0x6d: {  	_ =	shalt  }
0x6e: {  	_ =	shalt  }
0x6f: {  	_ =	shalt  }
0x70: {  	_ =	shalt  }
0x71: {  	_ =	shalt  }
0x72: {  	_ =	shalt  }
0x73: {  	_ =	shalt  }
0x74: {  	_ =	shalt  }
0x75: {  	_ =	shalt  }
0x76: {  	_ =	shalt  }
0x77: {  	_ =	shalt  }
0x78: {  	_ =	shalt  }
0x79: {  	_ =	shalt  }
0x7a: {  	_ =	shalt  }
0x7b: {  	_ =	shalt  }
0x7c: {  	_ =	shalt  }
0x7d: {  	_ =	shalt  }
0x7e: {  	_ =	shalt  }
0x7f: {  	_ =	shalt  }
0x80: {  	_ =	shalt  }
0x81: {  	_ =	shalt  }
0x82: {  	_ =	shalt  }
0x83: {  	_ =	shalt  }
0x84: {  	_ =	shalt  }
0x85: {  	_ =	shalt  }
0x86: {  	_ =	shalt  }
0x87: {  	_ =	shalt  }
.Lfunc_end0:
.L_simem_size_0:
called_computation.1_lowered:
.L_overlay_start_0:
0x88: {  	s2 =	sld [smem:$0x3FD9]  }
0x89: {  	s3 =	sld [smem:$0x3FFE];
	_ =	sdelay $0x1  }
0x8a: {  	s1 =	srdreg.scid  }
0x8b: {  	s0 =	sand.u32 $0x1, s1  }
0x8c: {  	s17 =	sshll.u32 s0, $0xA;
	s2 =	sadd.s32 s3, s2  }
0x8d: {  	s2 =	sadd.s32 s2, s17  }
0x8e: {  	[smem:$0x3FC2] =	sst s2  }
0x8f: {  	_ = 	snop  }
0x90: {  	s2 =	sld [smem:$0x3FD0];
	(tm) =	ssettm $0x1  }
0x91: {  	s18 =	sld [smem:$0x3FFB];
	_ =	sdelay $0x3  }
0x92: {  	_ =	strace s18  }
0x93: {  	s3 =	sld [smem:$0x3FFC];
	_ =	sdelay $0x3  }
0x94: {  	_ =	strace s3  }
0x95: {  	s3 =	sld [smem:$0x3FFD];
	_ =	sdelay $0x3  }
0x96: {  	_ =	strace s3  }
0x97: {  	_ =	strace $0x8FFFFFFF  }
0x98: {  	s19 =	sld [smem:$0x3FDB];
	_ =	sdelay $0x1  }
0x99: {  	s4 =	simm.s32 $_scs_section_size  }
0x9a: {  	s5 =	simm.s32 $_size__tile_overlayer_lowered;
	s6 =	simm.s32 $_tile_overlayer_lowered  }
0x9b: {  	s22 =	simm.s32 $0x1BFF;
	s21 =	sshll.u32 s6, $0x1;
	s3 =	sadd.s32 s4, s19  }
0x9c: {  	s7 =	simm.s32 $0x0;
	s20 =	sshll.u32 s5, $0x1;
	s5 =	sadd.s32 s21, s3  }
0x9d: {  	[timem:s7], [sflag:s22] =	dma.local [hbm:s5], s20  }
0x9e: {  	_ =	swait.ge [sflag:s22], s20  }
0x9f: {  	s4 =	ssub.s32 $0x0, s20;
	[sflag:s22] =	ssyncset.done $0x0  }
0xa0: {  	[sflag:s22] =	ssyncadd.s32 s4;
	_ =	sdelay $0x1  }
0xa1: {  	s23 =	simm.s32 $0x1B8B  }
0xa2: {  	_ =	swait.ge [sflag:s23], $0x1  }
0xa3: {  	[sflag:s23] =	ssyncset.done $0x0  }
0xa4: {  	s25 =	simm.s32 $0x1B8E;
	s24 =	sld [smem:$0x3FFE];
	[sflag:s23] =	ssyncadd.s32 $0xFFFFFFFF  }
0xa5: {  	s26 =	simm.s32 $execute0_lowered;
	[smem:$0x3FD2] =	sst s25  }
0xa6: {  	s5 =	sshll.u32 s26, $0x1;
	_ =	strace $0x80000049;
	[dreg:$0x1] =	wrdreg $0xFFFFFFFF  }
0xa7: {  	s28 =	simm.s32 $_size_execute0_lowered;
	s3 =	sadd.s32 s3, s5;
	[dreg:$0x0] =	wrdreg $0x0  }
0xa8: {  	s5 =	sshll.u32 s28, $0x1;
	[dreg:$0x2] =	wrdreg s3  }
0xa9: {  	[dreg:$0x3] =	wrdreg s5  }
0xaa: {  	[dreg:$0x4] =	wrdreg $0xC0  }
0xab: {  	_ =	task [dreg:s7], $0x5FFFF  }
0xac: {  	[dreg:$0x1] =	wrdreg $0xFFFFFFFF  }
0xad: {  	[dreg:$0x0] =	wrdreg $0x60  }
0xae: {  	[dreg:$0x2] =	wrdreg s24  }
0xaf: {  	[dreg:$0x3] =	wrdreg s2  }
0xb0: {  	[dreg:$0x4] =	wrdreg $0xA8000  }
0xb1: {  	[dreg:$0x5] =	wrdreg $0x9  }
0xb2: {  	_ =	task.clear_ibuf [dreg:s7], $0x6FFFF;
	_ =	strace $0x90000049  }
0xb3: {  	s29 =	simm.s32 $0x9;
	_ =	strace $0x8000004B  }
0xb4: {  	_ =	swait.ge [sflag:s29], $0x1  }
0xb5: {  	[sflag:s29] =	ssyncadd.s32 $0xFFFFFFFF  }
0xb6: {  	_ =	strace $0x9000004B  }
0xb7: {  	_ =	sfence  }
0xb8: {  	s30 =	sld [smem:$0x0];
	_ =	sdelay $0x2  }
0xb9: {  	s31 =	sshll.u32 s1, $0xD;
	s1 =	sshrl.u32 s1, $0x2  }
0xba: {  	s3 =	sand.u32 $0x4000, s31;
	s1 =	sadd.s32 s1, s30  }
0xbb: {  	s0 =	sor.u32 s3, s0;
	s1 =	sshll.u32 s1, $0x11  }
0xbc: {  	s0 =	sor.u32 s1, s0  }
0xbd: {  	s0 =	sadd.s32 $0x8F2B, s0  }
0xbe: {  	[sflag:s0] =	ssyncadd.remote.s32 $0x1  }
0xbf: {  	_ =	sfence.sel $0xFFFF  }
0xc0: {  	[dreg:$0x0] =	wrdreg $0xFFFFFFFF;
	(pc) =	sbr.abs _section_cstart, $3  }
0xc1: {  	[dreg:$0x1] =	wrdreg $0xFFFFFFFF  }
0xc2: {  	_ =	task.clear_ibuf [dreg:s7], $0x2FFFF;
	_ =	strace $0x9FFFFFFF  }
0xc3: {  	(tm) =	ssettm $0x7FFFFFFF  }
tec
execute0_lowered:
.L_overlay_start_1:
0x0: {  	(tag) =	ssettag $0x1  }
0x1: {  	s5 =	rddreg [dreg:$0x0]  }
0x2: {  	s6 =	rddreg [dreg:$0x1]  }
0x3: {  	s2 =	rddreg [dreg:$0x2];
	s1 =	srdreg.scid  }
0x4: {  	s0 =	rddreg [dreg:$0x3];
	s3 =	simm.s32 $0x0;
	s16 =	simm.s32 $0x2800  }
0x5: {  	s17 =	simm.s32 $0x3;
	s18 =	simm.s32 $0x1400;
	s19 =	simm.s32 $0x80  }
0x6: {  	s20 =	simm.s32 $0x1;
	s21 =	simm.s32 $0x6800;
	s22 =	simm.s32 $0x2  }
0x7: {  	s23 =	simm.s32 $0x1380;
	s24 =	simm.s32 $0x2700;
	s7 =	sand.u32 $0x1, s1  }
0x8: {  	s25 =	simm.s32 $0x2780;
	s1 =	stileid.u32;
	s4 =	smul.u32 $0x140000, s7  }
0x9: {  	[smem:$0x7FF] =	sst s3;
	s8 =	smul.u32 $0x14000, s1;
	s9 =	sshll.u32 s7, $0x4  }
0xa: {  	s10 =	smul.u32 $0x50000, s1;
	s7 =	ssub.s32 $0x2, s7;
	s9 =	sor.u32 s1, s9  }
0xb: {  	_ =	strace $0x8000004A;
	s30 =	sshrl.u32 s7, $0x1;
	s9 =	smul.u32 $0x2800, s9  }
0xc: {  	s8 =	sadd.s32 s8, s4;
	s4 =	sadd.s32 $0x2000, s5;
	s31 =	sshrl.u32 s10, $0x2  }
0xd: {  	s12 =	ssub.s32 s7, s30;
	s8 =	sshrl.u32 s8, $0x3;
	s29 =	sshrl.u32 s9, $0x3  }
0xe: {  	s11 =	sadd.s32 s8, s5;
	s5 =	sadd.s32 s6, s29;
	s6 =	sadd.s32 s31, s2  }
0xf: {  	s10 =	sadd.s32 $0x2A000, s11;
	s11 =	smax.u32 s12, $0x1;
	s7 =	sadd.s32 $0xA000, s5  }
0x10: {  	s8 =	sadd.s32 $0x280, s5;
	s9 =	sadd.s32 $0xA280, s5;
	s12 =	sadd.s32 $0x4000, s6  }
0x11: {  	v0 =	vimm.f32 $0.0e+00;
	s13 =	sadd.s32 $0x8000, s6;
	s14 =	sadd.s32 $0xC000, s6;
	s15 =	sadd.s32 $0x10000, s6  }
.LBB2_1:
0x12: {  	s26 =	simm.s32 $0x0;
	s28 =	simm.s32 $0x200  }
.LBB2_2:
0x13: {  	p0 =	sne.s32 s28, $0xFE00;
	[tilespmem:s26+$0x2870] =	vst v0  }
0x14: {  	[tilespmem:s26+$0x2800] =	vst v0  }
0x15: {  	[tilespmem:s26+$0x2810] =	vst v0  }
.Ltmp0:
0x16: {  	[tilespmem:s26+$0x2820] =	vst v0;
	(pc) =	sbr.rel @p0 .LBB2_2-.Ltmp0, $4  }
0x17: {  	[tilespmem:s26+$0x2830] =	vst v0  }
0x18: {  	[tilespmem:s26+$0x2840] =	vst v0  }
0x19: {  	[tilespmem:s26+$0x2850] =	vst v0  }
0x1a: {  	[tilespmem:s26+$0x2860] =	vst v0;
	s26 =	sshra.s32 s28, $0x2;
	s28 =	sadd.s32 $0x200, s28  }
0x1b: {  	[tilespmem:s26+$0x2870] =	vst v0  }
0x1c: {  	[tilespmem:s26+$0x2800] =	vst v0  }
0x1d: {  	[tilespmem:s26+$0x2810] =	vst v0  }
0x1e: {  	[tilespmem:s26+$0x2820] =	vst v0  }
0x1f: {  	[tilespmem:s26+$0x2830] =	vst v0  }
0x20: {  	[tilespmem:s26+$0x2840] =	vst v0  }
0x21: {  	[tilespmem:s26+$0x2850] =	vst v0  }
0x22: {  	[tilespmem:s26+$0x2860] =	vst v0  }
0x23: {  	[spmem:s6] =	stream.linear.scatter [tilespmem:s16], [sflag:$0x3], $0x4000, $0x38;
	[tilespmem:$0x1E800] =	vst v63  }
0x24: {  	_ =	swait.ge [sflag:s17], $0x4000  }
0x25: {  	[sflag:s17] =	ssyncset.done $0x0  }
0x26: {  	[sflag:s17] =	ssyncadd.s32 $0xFFFFC000  }
0x27: {  	[spmem:s12] =	stream.linear.scatter [tilespmem:s16], [sflag:$0x3], $0x4000, $0x38;
	[tilespmem:$0x1E800] =	vst v63  }
0x28: {  	_ =	swait.ge [sflag:s17], $0x4000  }
0x29: {  	[sflag:s17] =	ssyncset.done $0x0  }
0x2a: {  	[sflag:s17] =	ssyncadd.s32 $0xFFFFC000  }
0x2b: {  	[spmem:s13] =	stream.linear.scatter [tilespmem:s16], [sflag:$0x3], $0x4000, $0x38;
	[tilespmem:$0x1E800] =	vst v63  }
0x2c: {  	_ =	swait.ge [sflag:s17], $0x4000  }
0x2d: {  	[sflag:s17] =	ssyncset.done $0x0  }
0x2e: {  	[sflag:s17] =	ssyncadd.s32 $0xFFFFC000  }
0x2f: {  	[spmem:s14] =	stream.linear.scatter [tilespmem:s16], [sflag:$0x3], $0x4000, $0x38;
	[tilespmem:$0x1E800] =	vst v63  }
0x30: {  	_ =	swait.ge [sflag:s17], $0x4000  }
0x31: {  	[sflag:s17] =	ssyncset.done $0x0  }
0x32: {  	[sflag:s17] =	ssyncadd.s32 $0xFFFFC000  }
0x33: {  	[spmem:s15] =	stream.linear.scatter [tilespmem:s16], [sflag:$0x3], $0x4000, $0x38;
	[tilespmem:$0x1E800] =	vst v63  }
0x34: {  	_ =	swait.ge [sflag:s17], $0x4000  }
0x35: {  	[sflag:s17] =	ssyncset.done $0x0  }
0x36: {  	[sflag:s17] =	ssyncadd.s32 $0xFFFFC000  }
0x37: {  	s31 =	simm.s32 $0x0;
	[bflag:$0x0] =	sbarrier.arrive $0xFFFF  }
0x38: {  	[tilespmem:s31], [sflag:$0x3] =	stream.linear.gather [hbm4b:s5+s31], $0x1400, $0x38;
	[tilespmem:$0x1E800] =	vst v63  }
0x39: {  	_ =	swait.ge [sflag:s17], $0x1400  }
0x3a: {  	[sflag:s17] =	ssyncset.done $0x0  }
0x3b: {  	[sflag:s17] =	ssyncadd.s32 $0xFFFFEC00  }
0x3c: {  	[tilespmem:s18], [sflag:$0x3] =	stream.linear.gather [hbm4b:s7+s31], $0x1400, $0x38;
	[tilespmem:$0x1E800] =	vst v63  }
0x3d: {  	_ =	swait.ge [sflag:s17], $0x1400  }
0x3e: {  	[sflag:s17] =	ssyncset.done $0x0  }
0x3f: {  	[sflag:s17] =	ssyncadd.s32 $0xFFFFEC00  }
0x40: {  	[tilespmem:s16], [sflag:$0x1] =	stream.indirect.gather [hbm4b:s4+s19], $0x80, s31, s19, $0xb8;
	[tilespmem:$0x1E800] =	vst v63  }
0x41: {  	_ =	swait.ge [sflag:s20], $0x4000  }
0x42: {  	[sflag:s20] =	ssyncset.done $0x0  }
0x43: {  	s28 =	simm.s32 $0x80;
	[sflag:s20] =	ssyncadd.s32 $0xFFFFC000  }
0x44: {  	[tilespmem:s21], [sflag:$0x2] =	stream.indirect.gather [hbm4b:s4+s19], $0x80, s28, s19, $0xb8;
	[tilespmem:$0x1E800] =	vst v63  }
0x45: {  	s29 =	simm.s32 $0x1400  }
0x46: {  	[spmem:s2] =	stream.indirect.scatter.add.f32 [tilespmem:s16], [sflag:$0x3], $0x80, s29, s19, $0xb8;
	[tilespmem:$0x1E800] =	vst v63  }
0x47: {  	_ =	swait.ge [sflag:s17], $0x4000  }
0x48: {  	[sflag:s17] =	ssyncset.done $0x0  }
0x49: {  	[sflag:s17] =	ssyncadd.s32 $0xFFFFC000  }
0x4a: {  	_ =	swait.ge [sflag:s22], $0x4000  }
0x4b: {  	[sflag:s22] =	ssyncset.done $0x0  }
0x4c: {  	s30 =	simm.s32 $0x100;
	[sflag:s22] =	ssyncadd.s32 $0xFFFFC000  }
0x4d: {  	[tilespmem:s16], [sflag:$0x1] =	stream.indirect.gather [hbm4b:s4+s19], $0x80, s30, s19, $0xb8;
	[tilespmem:$0x1E800] =	vst v63  }
0x4e: {  	s31 =	simm.s32 $0x1480  }
0x4f: {  	[spmem:s2] =	stream.indirect.scatter.add.f32 [tilespmem:s21], [sflag:$0x3], $0x80, s31, s19, $0xb8;
	[tilespmem:$0x1E800] =	vst v63  }
0x50: {  	_ =	swait.ge [sflag:s17], $0x4000  }
0x51: {  	s26 =	simm.s32 $0x400;
	[sflag:s17] =	ssyncset.done $0x0  }
.LBB2_4:
0x52: {  	p0 =	sne.s32 s26, $0x4800  }
0x53: {  	[sflag:s17] =	ssyncadd.s32 $0xFFFFC000;
	s28 =	smov.u32 s26;
	s26 =	sadd.s32 $0x400, s26  }
0x54: {  	_ = 	snop  }
0x55: {  	_ =	swait.ge [sflag:s20], $0x4000  }
0x56: {  	s28 =	sshra.s32 s28, $0x2;
	[sflag:s20] =	ssyncset.done $0x0  }
0x57: {  	s29 =	sadd.s32 $0x80, s28;
	[sflag:s20] =	ssyncadd.s32 $0xFFFFC000  }
0x58: {  	[tilespmem:s21], [sflag:$0x2] =	stream.indirect.gather [hbm4b:s4+s19], $0x80, s29, s19, $0xb8;
	[tilespmem:$0x1E800] =	vst v63  }
0x59: {  	s29 =	sadd.s32 $0x1400, s28  }
0x5a: {  	[spmem:s2] =	stream.indirect.scatter.add.f32 [tilespmem:s16], [sflag:$0x3], $0x80, s29, s19, $0xb8;
	[tilespmem:$0x1E800] =	vst v63  }
0x5b: {  	_ =	swait.ge [sflag:s17], $0x4000  }
0x5c: {  	[sflag:s17] =	ssyncset.done $0x0  }
0x5d: {  	[sflag:s17] =	ssyncadd.s32 $0xFFFFC000  }
0x5e: {  	_ =	swait.ge [sflag:s22], $0x4000  }
0x5f: {  	[sflag:s22] =	ssyncset.done $0x0  }
0x60: {  	s29 =	sadd.s32 $0x100, s28;
	[sflag:s22] =	ssyncadd.s32 $0xFFFFC000  }
0x61: {  	[tilespmem:s16], [sflag:$0x1] =	stream.indirect.gather [hbm4b:s4+s19], $0x80, s29, s19, $0xb8;
	[tilespmem:$0x1E800] =	vst v63  }
.Ltmp1:
0x62: {  	_ = 	snop;
	(pc) =	sbr.rel @p0 .LBB2_4-.Ltmp1, $4  }
0x63: {  	s28 =	sadd.s32 $0x1480, s28  }
0x64: {  	[spmem:s2] =	stream.indirect.scatter.add.f32 [tilespmem:s21], [sflag:$0x3], $0x80, s28, s19, $0xb8;
	[tilespmem:$0x1E800] =	vst v63  }
0x65: {  	_ =	swait.ge [sflag:s17], $0x4000  }
0x66: {  	[sflag:s17] =	ssyncset.done $0x0  }
0x67: {  	[sflag:s17] =	ssyncadd.s32 $0xFFFFC000  }
0x68: {  	_ =	swait.ge [sflag:s20], $0x4000  }
0x69: {  	[sflag:s20] =	ssyncset.done $0x0  }
0x6a: {  	[sflag:s20] =	ssyncadd.s32 $0xFFFFC000  }
0x6b: {  	[tilespmem:s21], [sflag:$0x2] =	stream.indirect.gather [hbm4b:s4+s19], $0x80, s23, s19, $0xb8;
	[tilespmem:$0x1E800] =	vst v63  }
0x6c: {  	_ = 	snop  }
0x6d: {  	[spmem:s2] =	stream.indirect.scatter.add.f32 [tilespmem:s16], [sflag:$0x3], $0x80, s24, s19, $0xb8;
	[tilespmem:$0x1E800] =	vst v63  }
0x6e: {  	_ =	swait.ge [sflag:s17], $0x4000  }
0x6f: {  	[sflag:s17] =	ssyncset.done $0x0  }
0x70: {  	[sflag:s17] =	ssyncadd.s32 $0xFFFFC000  }
0x71: {  	_ =	swait.ge [sflag:s22], $0x4000  }
0x72: {  	[sflag:s22] =	ssyncset.done $0x0  }
0x73: {  	[sflag:s22] =	ssyncadd.s32 $0xFFFFC000  }
0x74: {  	[tilespmem:s16], [sflag:$0x1] =	stream.indirect.gather [hbm4b:s4+s19], $0x80, s23, s19, $0xb8;
	[tilespmem:$0x1E800] =	vst v63  }
0x75: {  	_ = 	snop  }
0x76: {  	[spmem:s2] =	stream.indirect.scatter.add.f32 [tilespmem:s21], [sflag:$0x3], $0x80, s25, s19, $0xb8;
	[tilespmem:$0x1E800] =	vst v63  }
0x77: {  	_ =	swait.ge [sflag:s17], $0x4000  }
0x78: {  	[sflag:s17] =	ssyncset.done $0x0  }
0x79: {  	[sflag:s17] =	ssyncadd.s32 $0xFFFFC000  }
0x7a: {  	_ =	swait.ge [sflag:s20], $0x4000  }
0x7b: {  	[sflag:s20] =	ssyncset.done $0x0  }
0x7c: {  	s26 =	simm.s32 $0x0;
	[sflag:s20] =	ssyncadd.s32 $0xFFFFC000  }
0x7d: {  	[tilespmem:s26], [sflag:$0x3] =	stream.linear.gather [hbm4b:s8+s26], $0x1400, $0x38;
	[tilespmem:$0x1E800] =	vst v63  }
0x7e: {  	_ =	swait.ge [sflag:s17], $0x1400  }
0x7f: {  	[sflag:s17] =	ssyncset.done $0x0  }
0x80: {  	[sflag:s17] =	ssyncadd.s32 $0xFFFFEC00  }
0x81: {  	[tilespmem:s18], [sflag:$0x3] =	stream.linear.gather [hbm4b:s9+s26], $0x1400, $0x38;
	[tilespmem:$0x1E800] =	vst v63  }
0x82: {  	_ =	swait.ge [sflag:s17], $0x1400  }
0x83: {  	[sflag:s17] =	ssyncset.done $0x0  }
0x84: {  	[sflag:s17] =	ssyncadd.s32 $0xFFFFEC00  }
0x85: {  	[tilespmem:s16], [sflag:$0x1] =	stream.indirect.gather [hbm4b:s4+s19], $0x80, s26, s19, $0xb8;
	[tilespmem:$0x1E800] =	vst v63  }
0x86: {  	_ =	swait.ge [sflag:s20], $0x4000  }
0x87: {  	[sflag:s20] =	ssyncset.done $0x0  }
0x88: {  	s28 =	simm.s32 $0x80;
	[sflag:s20] =	ssyncadd.s32 $0xFFFFC000  }
0x89: {  	[tilespmem:s21], [sflag:$0x2] =	stream.indirect.gather [hbm4b:s4+s19], $0x80, s28, s19, $0xb8;
	[tilespmem:$0x1E800] =	vst v63  }
0x8a: {  	s29 =	simm.s32 $0x1400  }
0x8b: {  	[spmem:s2] =	stream.indirect.scatter.add.f32 [tilespmem:s16], [sflag:$0x3], $0x80, s29, s19, $0xb8;
	[tilespmem:$0x1E800] =	vst v63  }
0x8c: {  	_ =	swait.ge [sflag:s17], $0x4000  }
0x8d: {  	[sflag:s17] =	ssyncset.done $0x0  }
0x8e: {  	[sflag:s17] =	ssyncadd.s32 $0xFFFFC000  }
0x8f: {  	_ =	swait.ge [sflag:s22], $0x4000  }
0x90: {  	[sflag:s22] =	ssyncset.done $0x0  }
0x91: {  	s30 =	simm.s32 $0x100;
	[sflag:s22] =	ssyncadd.s32 $0xFFFFC000  }
0x92: {  	[tilespmem:s16], [sflag:$0x1] =	stream.indirect.gather [hbm4b:s4+s19], $0x80, s30, s19, $0xb8;
	[tilespmem:$0x1E800] =	vst v63  }
0x93: {  	s31 =	simm.s32 $0x1480  }
0x94: {  	[spmem:s2] =	stream.indirect.scatter.add.f32 [tilespmem:s21], [sflag:$0x3], $0x80, s31, s19, $0xb8;
	[tilespmem:$0x1E800] =	vst v63  }
0x95: {  	_ =	swait.ge [sflag:s17], $0x4000  }
0x96: {  	s26 =	simm.s32 $0x400;
	[sflag:s17] =	ssyncset.done $0x0  }
.LBB2_6:
0x97: {  	p0 =	sne.s32 s26, $0x4800  }
0x98: {  	[sflag:s17] =	ssyncadd.s32 $0xFFFFC000;
	s28 =	smov.u32 s26;
	s26 =	sadd.s32 $0x400, s26  }
0x99: {  	_ = 	snop  }
0x9a: {  	_ =	swait.ge [sflag:s20], $0x4000  }
0x9b: {  	s28 =	sshra.s32 s28, $0x2;
	[sflag:s20] =	ssyncset.done $0x0  }
0x9c: {  	s29 =	sadd.s32 $0x80, s28;
	[sflag:s20] =	ssyncadd.s32 $0xFFFFC000  }
0x9d: {  	[tilespmem:s21], [sflag:$0x2] =	stream.indirect.gather [hbm4b:s4+s19], $0x80, s29, s19, $0xb8;
	[tilespmem:$0x1E800] =	vst v63  }
0x9e: {  	s29 =	sadd.s32 $0x1400, s28  }
0x9f: {  	[spmem:s2] =	stream.indirect.scatter.add.f32 [tilespmem:s16], [sflag:$0x3], $0x80, s29, s19, $0xb8;
	[tilespmem:$0x1E800] =	vst v63  }
0xa0: {  	_ =	swait.ge [sflag:s17], $0x4000  }
0xa1: {  	[sflag:s17] =	ssyncset.done $0x0  }
0xa2: {  	[sflag:s17] =	ssyncadd.s32 $0xFFFFC000  }
0xa3: {  	_ =	swait.ge [sflag:s22], $0x4000  }
0xa4: {  	[sflag:s22] =	ssyncset.done $0x0  }
0xa5: {  	s29 =	sadd.s32 $0x100, s28;
	[sflag:s22] =	ssyncadd.s32 $0xFFFFC000  }
0xa6: {  	[tilespmem:s16], [sflag:$0x1] =	stream.indirect.gather [hbm4b:s4+s19], $0x80, s29, s19, $0xb8;
	[tilespmem:$0x1E800] =	vst v63  }
.Ltmp2:
0xa7: {  	_ = 	snop;
	(pc) =	sbr.rel @p0 .LBB2_6-.Ltmp2, $4  }
0xa8: {  	s28 =	sadd.s32 $0x1480, s28  }
0xa9: {  	[spmem:s2] =	stream.indirect.scatter.add.f32 [tilespmem:s21], [sflag:$0x3], $0x80, s28, s19, $0xb8;
	[tilespmem:$0x1E800] =	vst v63  }
0xaa: {  	_ =	swait.ge [sflag:s17], $0x4000  }
0xab: {  	[sflag:s17] =	ssyncset.done $0x0  }
0xac: {  	[sflag:s17] =	ssyncadd.s32 $0xFFFFC000  }
0xad: {  	_ =	swait.ge [sflag:s20], $0x4000  }
0xae: {  	[sflag:s20] =	ssyncset.done $0x0  }
0xaf: {  	[sflag:s20] =	ssyncadd.s32 $0xFFFFC000  }
0xb0: {  	[tilespmem:s21], [sflag:$0x2] =	stream.indirect.gather [hbm4b:s4+s19], $0x80, s23, s19, $0xb8;
	[tilespmem:$0x1E800] =	vst v63  }
0xb1: {  	_ = 	snop  }
0xb2: {  	[spmem:s2] =	stream.indirect.scatter.add.f32 [tilespmem:s16], [sflag:$0x3], $0x80, s24, s19, $0xb8;
	[tilespmem:$0x1E800] =	vst v63  }
0xb3: {  	_ =	swait.ge [sflag:s17], $0x4000  }
0xb4: {  	[sflag:s17] =	ssyncset.done $0x0  }
0xb5: {  	[sflag:s17] =	ssyncadd.s32 $0xFFFFC000  }
0xb6: {  	_ =	swait.ge [sflag:s22], $0x4000  }
0xb7: {  	[sflag:s22] =	ssyncset.done $0x0  }
0xb8: {  	[sflag:s22] =	ssyncadd.s32 $0xFFFFC000  }
0xb9: {  	[tilespmem:s16], [sflag:$0x1] =	stream.indirect.gather [hbm4b:s4+s19], $0x80, s23, s19, $0xb8;
	[tilespmem:$0x1E800] =	vst v63  }
0xba: {  	_ = 	snop  }
0xbb: {  	[spmem:s2] =	stream.indirect.scatter.add.f32 [tilespmem:s21], [sflag:$0x3], $0x80, s25, s19, $0xb8;
	[tilespmem:$0x1E800] =	vst v63  }
0xbc: {  	_ =	swait.ge [sflag:s17], $0x4000  }
0xbd: {  	[sflag:s17] =	ssyncset.done $0x0  }
0xbe: {  	[sflag:s17] =	ssyncadd.s32 $0xFFFFC000  }
0xbf: {  	_ =	swait.ge [sflag:s20], $0x4000  }
0xc0: {  	s26 =	sshll.u32 s1, $0x6;
	s3 =	sadd.s32 $0x1, s3;
	[sflag:s20] =	ssyncset.done $0x0  }
0xc1: {  	s28 =	sshrl.u32 s6, $0x3;
	p0 =	sne.s32 s3, s11;
	[sflag:s20] =	ssyncadd.s32 $0xFFFFC000  }
.Ltmp3:
0xc2: {  	s26 =	sor.u32 $0x1C03, s26;
	[bflag:$0x0] =	sbarrier.arrive $0xFFFF;
	(pc) =	sbr.rel @p0 .LBB2_1-.Ltmp3, $4  }
0xc3: {  	[hbm:s10], [sflag:s26] =	dma.local [spmem:s28], $0x2800  }
0xc4: {  	_ =	swait.ge [sflag:s17], $0x2800  }
0xc5: {  	[sflag:s17] =	ssyncset.done $0x0  }
0xc6: {  	[sflag:s17] =	ssyncadd.s32 $0xFFFFD800  }
0xc7: {  	_ =	sfence.sel $0x180000  }
0xc8: {  	[bflag:$0x0] =	sbarrier.arrive $0xFFFF  }
0xc9: {  	p0 =	sne.s32 s1, $0x0;
	_ =	strace $0x9000004A  }
0xca: {  	s0 =	sadd.s32 @!p0 $0x100000, s0;
	[bflag:$0x2] =	sbarrier.arrive $0xFFFF  }
0xcb: {  	[sflag:s0] =	ssyncadd.tile.s32 @!p0 $0x1;
	_ =	shalt  }
.Lfunc_end2:
_tile_overlayer_lowered:
.L_overlay_start_2:
0xcc: {  	(tag) =	ssettag $0x2  }
0xcd: {  	s0 =	rddreg [dreg:$0x0];
	s2 =	stileid.u32  }
0xce: {  	s1 =	rddreg [dreg:$0x1];
	p0 =	sne.s32 s2, $0x0  }
0xcf: {  	s3 =	rddreg [dreg:$0x2];
	[bflag:$0x3] =	sbarrier.arrive $0xFFFF;
	s2 =	simm.s32 @!p0 $0x1C03  }
0xd0: {  	[timem:s3], [sflag:s2] =	dma.local @!p0 [hbm:s0], s1  }
0xd1: {  	s0 =	simm.s32 @!p0 $0x3  }
0xd2: {  	_ =	swait.ge @!p0 [sflag:s0], s1  }
0xd3: {  	s1 =	ssub.s32 @!p0 $0x0, s1;
	[sflag:s0] =	ssyncset.done @!p0 $0x0  }
0xd4: {  	[sflag:s0] =	ssyncadd.s32 @!p0 s1  }
0xd5: {  	[bflag:$0x3] =	sbarrier.arrive $0xFFFF  }
0xd6: {  	_ =	shalt  }

</sc_bundles>
